<compile_context>
chip_gen: v7x
topology: tpu7x:2x2x1
jax: 0.10.2.dev20260603
libtpu: 0.0.44.dev20260713+nightly
codegen_flags: <defaults>
</compile_context>

<pallas_src>
import functools

import jax
import jax.numpy as jnp
from jax import lax
from jax.experimental import pallas as pl
from jax.experimental.pallas import tpu as pltpu
from jax.experimental.pallas import tpu_sc as plsc

VOCAB_N = 1000000
EMBED = 128
HIDDEN = 128
OUT_N = 91
BATCH_N = 16384
CTX_N = 6

NC, NS = 2, 16
NW = NC * NS

NSEG = 2
BSEG = BATCH_N // NSEG
SEG_ROWS = BSEG * CTX_N
ROWS_PER_W = SEG_ROWS // NW
CHUNK = 192
NCHUNK = ROWS_PER_W // CHUNK
NBUF = 5


def _make_gather():
    mesh = plsc.VectorSubcoreMesh(core_axis_name="c", subcore_axis_name="s")

    @functools.partial(
        pl.kernel,
        mesh=mesh,
        out_type=jax.ShapeDtypeStruct((SEG_ROWS, EMBED), jnp.float32),
        scratch_types=(
            [pltpu.VMEM((ROWS_PER_W,), jnp.int32)]
            + [pltpu.VMEM((CHUNK, EMBED), jnp.float32)] * NBUF
            + [pltpu.SemaphoreType.DMA] * (2 * NBUF)
        ),
    )
    def gather(table_hbm, idx_hbm, out_hbm, idx_v, *scr):
        bufs = scr[:NBUF]
        gsem = scr[NBUF:2 * NBUF]
        wsem = scr[2 * NBUF:]
        wid = lax.axis_index("s") * NC + lax.axis_index("c")
        base = wid * ROWS_PER_W
        pltpu.sync_copy(idx_hbm.at[pl.ds(base, ROWS_PER_W)], idx_v)

        def fire_gather(c):
            pltpu.async_copy(
                table_hbm.at[idx_v.at[pl.ds(c * CHUNK, CHUNK)]],
                bufs[c % NBUF], gsem[c % NBUF])

        for c in range(min(NBUF - 1, NCHUNK)):
            fire_gather(c)
        for c in range(NCHUNK):
            b = c % NBUF
            pltpu.make_async_copy(
                table_hbm.at[idx_v.at[pl.ds(c * CHUNK, CHUNK)]],
                bufs[b], gsem[b]).wait()
            dst = out_hbm.at[pl.ds(base + c * CHUNK, CHUNK)]
            pltpu.async_copy(bufs[b], dst, wsem[b])
            n = c + NBUF - 1
            if n < NCHUNK:
                nb = n % NBUF
                if n >= NBUF:
                    pltpu.make_async_copy(
                        bufs[nb],
                        out_hbm.at[pl.ds(base + (n - NBUF) * CHUNK, CHUNK)],
                        wsem[nb]).wait()
                fire_gather(n)
        for c in range(max(0, NCHUNK - NBUF), NCHUNK):
            b = c % NBUF
            pltpu.make_async_copy(
                bufs[b], out_hbm.at[pl.ds(base + c * CHUNK, CHUNK)],
                wsem[b]).wait()

    return gather


_gather = _make_gather()


def _mlp_body(x_ref, w1_ref, b1_ref, w2t_ref, b2t_ref, *rest):
    out_ref = rest[-1]
    h = b1_ref[...]
    for c in range(CTX_N):
        h = h + jnp.dot(x_ref[c], w1_ref[c],
                        preferred_element_type=jnp.float32)
    h = jnp.maximum(h, 0.0)
    out_t = jax.lax.dot_general(
        w2t_ref[...], h, (((1,), (1,)), ((), ())),
        preferred_element_type=jnp.float32)
    out_ref[...] = out_t + b2t_ref[...]


BM = 4096


def _mlp_seg(s, x3, W1r, b1, W2t, b2t, acc=None):
    grid = (BSEG // BM,)
    base = s * (BSEG // BM)
    in_specs = [
        pl.BlockSpec((CTX_N, BM, EMBED), lambda i: (0, i, 0)),
        pl.BlockSpec((CTX_N, EMBED, HIDDEN), lambda i: (0, 0, 0)),
        pl.BlockSpec((1, HIDDEN), lambda i: (0, 0)),
        pl.BlockSpec((OUT_N, HIDDEN), lambda i: (0, 0)),
        pl.BlockSpec((OUT_N, 1), lambda i: (0, 0)),
    ]
    args = [x3, W1r, b1, W2t, b2t]
    aliases = {}
    if acc is not None:
        in_specs.append(pl.BlockSpec(memory_space=pl.ANY))
        args.append(acc)
        aliases = {5: 0}
    return pl.pallas_call(
        _mlp_body,
        grid=grid,
        in_specs=in_specs,
        out_specs=pl.BlockSpec((OUT_N, BM), lambda i: (0, base + i)),
        out_shape=jax.ShapeDtypeStruct((OUT_N, BATCH_N), jnp.float32),
        input_output_aliases=aliases,
    )(*args)


def kernel(inputs, table, W1, b1, W2, b2):
    idx_t = inputs.T
    W1r = W1.reshape(CTX_N, EMBED, HIDDEN)
    b1r = b1.reshape(1, HIDDEN)
    W2t = W2.T
    b2t = b2.reshape(OUT_N, 1)
    logits_t = None
    for s in range(NSEG):
        idx_s = idx_t[:, s * BSEG:(s + 1) * BSEG].reshape(-1)
        embeds = _gather(table, idx_s)
        x3 = embeds.reshape(CTX_N, BSEG, EMBED)
        logits_t = _mlp_seg(s, x3, W1r, b1r, W2t, b2t, logits_t)
    return logits_t.T

# --- scband reference (transcript-rebuilt; emitter-appended) ---
"""Pipeline reference for scband-dependency-model-1812476199300 (READ-ONLY COPY).

The authoritative reference and input builder live on the scoring server;
editing this copy changes nothing except your own understanding.
"""

import jax, jax.numpy as jnp
import numpy as np

VOCAB = 1000000
EMBED = 128
HIDDEN = 128
OUTPUTS = 91
BATCH = 16384
CTX = 6

def setup_inputs(seed: int = 0) -> dict:
    key = jax.random.key(seed)
    k_idx, k_tab, k_w1, k_b1, k_w2, k_b2 = jax.random.split(key, 6)
    inputs = jax.random.randint(k_idx, (BATCH, CTX), 0, VOCAB, dtype=jnp.int64 if jax.config.jax_enable_x64 else jnp.int32).astype(jnp.int32)
    table = jax.random.normal(k_tab, (VOCAB, EMBED), dtype=jnp.float32)
    W1 = jax.random.normal(k_w1, (CTX * EMBED, HIDDEN), dtype=jnp.float32) * 0.02
    b1 = jnp.zeros((HIDDEN,), dtype=jnp.float32)
    W2 = jax.random.normal(k_w2, (HIDDEN, OUTPUTS), dtype=jnp.float32) * 0.02
    b2 = jnp.zeros((OUTPUTS,), dtype=jnp.float32)
    return {"inputs": inputs, "table": table, "W1": W1, "b1": b1, "W2": W2, "b2": b2}

def reference(inputs, table, W1, b1, W2, b2):
    # Embedding lookup: [B, CTX, EMBED]
    embeds = jnp.take(table, inputs, axis=0)
    # view(-1, 768)
    embeds = embeds.reshape(-1, CTX * EMBED)
    # fc1 -> relu -> fc2
    h = jnp.maximum(embeds @ W1 + b1, 0.0)
    logits = h @ W2 + b2
    return logits

if __name__ == "__main__":
    import jax
    _d = setup_inputs()
    print(jax.jit(kernel)(*tuple(_d.values())))

</pallas_src>

<mosaic_0001>
#map = affine_map<(d0, d1) -> (0, 0)>
#map1 = affine_map<(d0, d1) -> (0)>
module attributes {stable_mosaic.version = 14 : i64} {
  func.func @gather(%arg0: i32, %arg1: i32, %arg2: memref<1000000x128xf32, #tpu.memory_space<hbm>>, %arg3: memref<49152xi32, #tpu.memory_space<hbm>>, %arg4: memref<49152x128xf32, #tpu.memory_space<hbm>>, %arg5: memref<1536xi32, #tpu.memory_space<vmem>>, %arg6: memref<192x128xf32, #tpu.memory_space<vmem>>, %arg7: memref<192x128xf32, #tpu.memory_space<vmem>>, %arg8: memref<192x128xf32, #tpu.memory_space<vmem>>, %arg9: memref<192x128xf32, #tpu.memory_space<vmem>>, %arg10: memref<192x128xf32, #tpu.memory_space<vmem>>, %arg11: memref<!tpu.dma_semaphore, #tpu.memory_space<semaphore_mem>>, %arg12: memref<!tpu.dma_semaphore, #tpu.memory_space<semaphore_mem>>, %arg13: memref<!tpu.dma_semaphore, #tpu.memory_space<semaphore_mem>>, %arg14: memref<!tpu.dma_semaphore, #tpu.memory_space<semaphore_mem>>, %arg15: memref<!tpu.dma_semaphore, #tpu.memory_space<semaphore_mem>>, %arg16: memref<!tpu.dma_semaphore, #tpu.memory_space<semaphore_mem>>, %arg17: memref<!tpu.dma_semaphore, #tpu.memory_space<semaphore_mem>>, %arg18: memref<!tpu.dma_semaphore, #tpu.memory_space<semaphore_mem>>, %arg19: memref<!tpu.dma_semaphore, #tpu.memory_space<semaphore_mem>>, %arg20: memref<!tpu.dma_semaphore, #tpu.memory_space<semaphore_mem>>) attributes {dimension_semantics = [#tpu.dimension_semantics<core_parallel>, #tpu.dimension_semantics<subcore_parallel>], iteration_bounds = array<i64: 2, 16>, scalar_prefetch = 0 : i64, scratch_operands = 16 : i64, tpu.core_type = #tpu.core_type<sc_vector_subcore>, window_params = [{transform_indices = #map}, {transform_indices = #map1}, {transform_indices = #map}]} {
    %mul3A = arith.constant 2 : i32
    %mul3A_0 = arith.muli %arg1, %mul3A : i32
    %add3A = arith.addi %mul3A_0, %arg0 : i32
    %mul3A_1 = arith.constant 1536 : i32
    %mul3A_2 = arith.muli %add3A, %mul3A_1 : i32
    "tpu.region"() ({
      %run_scoped3A = tpu.sem_alloc : memref<!tpu.dma_semaphore, #tpu.memory_space<semaphore_mem>>
      %dma_start3A_177 = tpu.memref_slice %arg3[%mul3A_2] : memref<49152xi32, #tpu.memory_space<hbm>> -> memref<1536xi32, #tpu.memory_space<hbm>>
      %dma_start3A_178 = tpu.memref_slice %arg3[%mul3A_2] : memref<49152xi32, #tpu.memory_space<hbm>> -> memref<1536xi32, #tpu.memory_space<hbm>>
      tpu.enqueue_dma source(%dma_start3A_178 : memref<1536xi32, #tpu.memory_space<hbm>>) target(%arg5 : memref<1536xi32, #tpu.memory_space<vmem>>) target_semaphore(%run_scoped3A : memref<!tpu.dma_semaphore, #tpu.memory_space<semaphore_mem>>)
      %dma_wait3A_179 = tpu.memref_slice %arg3[%mul3A_2] : memref<49152xi32, #tpu.memory_space<hbm>> -> memref<1536xi32, #tpu.memory_space<hbm>>
      %dma_wait3A_180 = tpu.memref_slice %arg3[%mul3A_2] : memref<49152xi32, #tpu.memory_space<hbm>> -> memref<1536xi32, #tpu.memory_space<hbm>>
      tpu.wait_dma2 semaphore(%run_scoped3A : memref<!tpu.dma_semaphore, #tpu.memory_space<semaphore_mem>>) src(%dma_wait3A_180 : memref<1536xi32, #tpu.memory_space<hbm>>) dst(%arg5 : memref<1536xi32, #tpu.memory_space<vmem>>)
      tpu.yield
    }) : () -> ()
    %dma_start3A = arith.constant 0 : i32
    %dma_start3A_3 = tpu.memref_slice %arg5[%dma_start3A] : memref<1536xi32, #tpu.memory_space<vmem>> -> memref<192xi32, #tpu.memory_space<vmem>>
    %dma_start3A_4 = arith.constant 0 : i32
    %dma_start3A_5 = arith.constant 0 : i32
    %dma_start3A_6 = tpu.memref_slice %arg2[%dma_start3A_4, %dma_start3A_5] : memref<1000000x128xf32, #tpu.memory_space<hbm>> -> memref<1000000x128xf32, #tpu.memory_space<hbm>>
    tpu.enqueue_indirect_dma source(%dma_start3A_6 : memref<1000000x128xf32, #tpu.memory_space<hbm>>) target(%arg6 : memref<192x128xf32, #tpu.memory_space<vmem>>) offsets(%dma_start3A_3 : memref<192xi32, #tpu.memory_space<vmem>>) semaphore(%arg11 : memref<!tpu.dma_semaphore, #tpu.memory_space<semaphore_mem>>)
    %dma_start3A_7 = arith.constant 192 : i32
    %dma_start3A_8 = tpu.memref_slice %arg5[%dma_start3A_7] : memref<1536xi32, #tpu.memory_space<vmem>> -> memref<192xi32, #tpu.memory_space<vmem>>
    %dma_start3A_9 = arith.constant 0 : i32
    %dma_start3A_10 = arith.constant 0 : i32
    %dma_start3A_11 = tpu.memref_slice %arg2[%dma_start3A_9, %dma_start3A_10] : memref<1000000x128xf32, #tpu.memory_space<hbm>> -> memref<1000000x128xf32, #tpu.memory_space<hbm>>
    tpu.enqueue_indirect_dma source(%dma_start3A_11 : memref<1000000x128xf32, #tpu.memory_space<hbm>>) target(%arg7 : memref<192x128xf32, #tpu.memory_space<vmem>>) offsets(%dma_start3A_8 : memref<192xi32, #tpu.memory_space<vmem>>) semaphore(%arg12 : memref<!tpu.dma_semaphore, #tpu.memory_space<semaphore_mem>>)
    %dma_start3A_12 = arith.constant 384 : i32
    %dma_start3A_13 = tpu.memref_slice %arg5[%dma_start3A_12] : memref<1536xi32, #tpu.memory_space<vmem>> -> memref<192xi32, #tpu.memory_space<vmem>>
    %dma_start3A_14 = arith.constant 0 : i32
    %dma_start3A_15 = arith.constant 0 : i32
    %dma_start3A_16 = tpu.memref_slice %arg2[%dma_start3A_14, %dma_start3A_15] : memref<1000000x128xf32, #tpu.memory_space<hbm>> -> memref<1000000x128xf32, #tpu.memory_space<hbm>>
    tpu.enqueue_indirect_dma source(%dma_start3A_16 : memref<1000000x128xf32, #tpu.memory_space<hbm>>) target(%arg8 : memref<192x128xf32, #tpu.memory_space<vmem>>) offsets(%dma_start3A_13 : memref<192xi32, #tpu.memory_space<vmem>>) semaphore(%arg13 : memref<!tpu.dma_semaphore, #tpu.memory_space<semaphore_mem>>)
    %dma_start3A_17 = arith.constant 576 : i32
    %dma_start3A_18 = tpu.memref_slice %arg5[%dma_start3A_17] : memref<1536xi32, #tpu.memory_space<vmem>> -> memref<192xi32, #tpu.memory_space<vmem>>
    %dma_start3A_19 = arith.constant 0 : i32
    %dma_start3A_20 = arith.constant 0 : i32
    %dma_start3A_21 = tpu.memref_slice %arg2[%dma_start3A_19, %dma_start3A_20] : memref<1000000x128xf32, #tpu.memory_space<hbm>> -> memref<1000000x128xf32, #tpu.memory_space<hbm>>
    tpu.enqueue_indirect_dma source(%dma_start3A_21 : memref<1000000x128xf32, #tpu.memory_space<hbm>>) target(%arg9 : memref<192x128xf32, #tpu.memory_space<vmem>>) offsets(%dma_start3A_18 : memref<192xi32, #tpu.memory_space<vmem>>) semaphore(%arg14 : memref<!tpu.dma_semaphore, #tpu.memory_space<semaphore_mem>>)
    %dma_wait3A = arith.constant 0 : i32
    %dma_wait3A_22 = tpu.memref_slice %arg5[%dma_wait3A] : memref<1536xi32, #tpu.memory_space<vmem>> -> memref<192xi32, #tpu.memory_space<vmem>>
    %dma_wait3A_23 = arith.constant 0 : i32
    %dma_wait3A_24 = arith.constant 0 : i32
    %dma_wait3A_25 = tpu.memref_slice %arg2[%dma_wait3A_23, %dma_wait3A_24] : memref<1000000x128xf32, #tpu.memory_space<hbm>> -> memref<1000000x128xf32, #tpu.memory_space<hbm>>
    tpu.wait_indirect_dma semaphore(%arg11 : memref<!tpu.dma_semaphore, #tpu.memory_space<semaphore_mem>>) src(%dma_wait3A_25 : memref<1000000x128xf32, #tpu.memory_space<hbm>>) dst(%arg6 : memref<192x128xf32, #tpu.memory_space<vmem>>)
    %add3A_26 = arith.constant 0 : i32
    %add3A_27 = arith.addi %mul3A_2, %add3A_26 : i32
    %dma_start3A_28 = arith.constant 0 : i32
    %dma_start3A_29 = tpu.memref_slice %arg4[%add3A_27, %dma_start3A_28] : memref<49152x128xf32, #tpu.memory_space<hbm>> -> memref<192x128xf32, #tpu.memory_space<hbm>>
    %dma_start3A_30 = arith.constant 0 : i32
    %dma_start3A_31 = tpu.memref_slice %arg4[%add3A_27, %dma_start3A_30] : memref<49152x128xf32, #tpu.memory_space<hbm>> -> memref<192x128xf32, #tpu.memory_space<hbm>>
    tpu.enqueue_dma source(%arg6 : memref<192x128xf32, #tpu.memory_space<vmem>>) target(%dma_start3A_31 : memref<192x128xf32, #tpu.memory_space<hbm>>) target_semaphore(%arg16 : memref<!tpu.dma_semaphore, #tpu.memory_space<semaphore_mem>>)
    %dma_start3A_32 = arith.constant 768 : i32
    %dma_start3A_33 = tpu.memref_slice %arg5[%dma_start3A_32] : memref<1536xi32, #tpu.memory_space<vmem>> -> memref<192xi32, #tpu.memory_space<vmem>>
    %dma_start3A_34 = arith.constant 0 : i32
    %dma_start3A_35 = arith.constant 0 : i32
    %dma_start3A_36 = tpu.memref_slice %arg2[%dma_start3A_34, %dma_start3A_35] : memref<1000000x128xf32, #tpu.memory_space<hbm>> -> memref<1000000x128xf32, #tpu.memory_space<hbm>>
    tpu.enqueue_indirect_dma source(%dma_start3A_36 : memref<1000000x128xf32, #tpu.memory_space<hbm>>) target(%arg10 : memref<192x128xf32, #tpu.memory_space<vmem>>) offsets(%dma_start3A_33 : memref<192xi32, #tpu.memory_space<vmem>>) semaphore(%arg15 : memref<!tpu.dma_semaphore, #tpu.memory_space<semaphore_mem>>)
    %dma_wait3A_37 = arith.constant 192 : i32
    %dma_wait3A_38 = tpu.memref_slice %arg5[%dma_wait3A_37] : memref<1536xi32, #tpu.memory_space<vmem>> -> memref<192xi32, #tpu.memory_space<vmem>>
    %dma_wait3A_39 = arith.constant 0 : i32
    %dma_wait3A_40 = arith.constant 0 : i32
    %dma_wait3A_41 = tpu.memref_slice %arg2[%dma_wait3A_39, %dma_wait3A_40] : memref<1000000x128xf32, #tpu.memory_space<hbm>> -> memref<1000000x128xf32, #tpu.memory_space<hbm>>
    tpu.wait_indirect_dma semaphore(%arg12 : memref<!tpu.dma_semaphore, #tpu.memory_space<semaphore_mem>>) src(%dma_wait3A_41 : memref<1000000x128xf32, #tpu.memory_space<hbm>>) dst(%arg7 : memref<192x128xf32, #tpu.memory_space<vmem>>)
    %add3A_42 = arith.constant 192 : i32
    %add3A_43 = arith.addi %mul3A_2, %add3A_42 : i32
    %dma_start3A_44 = arith.constant 0 : i32
    %dma_start3A_45 = tpu.memref_slice %arg4[%add3A_43, %dma_start3A_44] : memref<49152x128xf32, #tpu.memory_space<hbm>> -> memref<192x128xf32, #tpu.memory_space<hbm>>
    %dma_start3A_46 = arith.constant 0 : i32
    %dma_start3A_47 = tpu.memref_slice %arg4[%add3A_43, %dma_start3A_46] : memref<49152x128xf32, #tpu.memory_space<hbm>> -> memref<192x128xf32, #tpu.memory_space<hbm>>
    tpu.enqueue_dma source(%arg7 : memref<192x128xf32, #tpu.memory_space<vmem>>) target(%dma_start3A_47 : memref<192x128xf32, #tpu.memory_space<hbm>>) target_semaphore(%arg17 : memref<!tpu.dma_semaphore, #tpu.memory_space<semaphore_mem>>)
    %add3A_48 = arith.constant 0 : i32
    %add3A_49 = arith.addi %mul3A_2, %add3A_48 : i32
    %dma_wait3A_50 = arith.constant 0 : i32
    %dma_wait3A_51 = tpu.memref_slice %arg4[%add3A_49, %dma_wait3A_50] : memref<49152x128xf32, #tpu.memory_space<hbm>> -> memref<192x128xf32, #tpu.memory_space<hbm>>
    %dma_wait3A_52 = arith.constant 0 : i32
    %dma_wait3A_53 = tpu.memref_slice %arg4[%add3A_49, %dma_wait3A_52] : memref<49152x128xf32, #tpu.memory_space<hbm>> -> memref<192x128xf32, #tpu.memory_space<hbm>>
    tpu.wait_dma2 semaphore(%arg16 : memref<!tpu.dma_semaphore, #tpu.memory_space<semaphore_mem>>) src(%arg6 : memref<192x128xf32, #tpu.memory_space<vmem>>) dst(%dma_wait3A_53 : memref<192x128xf32, #tpu.memory_space<hbm>>)
    %dma_start3A_54 = arith.constant 960 : i32
    %dma_start3A_55 = tpu.memref_slice %arg5[%dma_start3A_54] : memref<1536xi32, #tpu.memory_space<vmem>> -> memref<192xi32, #tpu.memory_space<vmem>>
    %dma_start3A_56 = arith.constant 0 : i32
    %dma_start3A_57 = arith.constant 0 : i32
    %dma_start3A_58 = tpu.memref_slice %arg2[%dma_start3A_56, %dma_start3A_57] : memref<1000000x128xf32, #tpu.memory_space<hbm>> -> memref<1000000x128xf32, #tpu.memory_space<hbm>>
    tpu.enqueue_indirect_dma source(%dma_start3A_58 : memref<1000000x128xf32, #tpu.memory_space<hbm>>) target(%arg6 : memref<192x128xf32, #tpu.memory_space<vmem>>) offsets(%dma_start3A_55 : memref<192xi32, #tpu.memory_space<vmem>>) semaphore(%arg11 : memref<!tpu.dma_semaphore, #tpu.memory_space<semaphore_mem>>)
    %dma_wait3A_59 = arith.constant 384 : i32
    %dma_wait3A_60 = tpu.memref_slice %arg5[%dma_wait3A_59] : memref<1536xi32, #tpu.memory_space<vmem>> -> memref<192xi32, #tpu.memory_space<vmem>>
    %dma_wait3A_61 = arith.constant 0 : i32
    %dma_wait3A_62 = arith.constant 0 : i32
    %dma_wait3A_63 = tpu.memref_slice %arg2[%dma_wait3A_61, %dma_wait3A_62] : memref<1000000x128xf32, #tpu.memory_space<hbm>> -> memref<1000000x128xf32, #tpu.memory_space<hbm>>
    tpu.wait_indirect_dma semaphore(%arg13 : memref<!tpu.dma_semaphore, #tpu.memory_space<semaphore_mem>>) src(%dma_wait3A_63 : memref<1000000x128xf32, #tpu.memory_space<hbm>>) dst(%arg8 : memref<192x128xf32, #tpu.memory_space<vmem>>)
    %add3A_64 = arith.constant 384 : i32
    %add3A_65 = arith.addi %mul3A_2, %add3A_64 : i32
    %dma_start3A_66 = arith.constant 0 : i32
    %dma_start3A_67 = tpu.memref_slice %arg4[%add3A_65, %dma_start3A_66] : memref<49152x128xf32, #tpu.memory_space<hbm>> -> memref<192x128xf32, #tpu.memory_space<hbm>>
    %dma_start3A_68 = arith.constant 0 : i32
    %dma_start3A_69 = tpu.memref_slice %arg4[%add3A_65, %dma_start3A_68] : memref<49152x128xf32, #tpu.memory_space<hbm>> -> memref<192x128xf32, #tpu.memory_space<hbm>>
    tpu.enqueue_dma source(%arg8 : memref<192x128xf32, #tpu.memory_space<vmem>>) target(%dma_start3A_69 : memref<192x128xf32, #tpu.memory_space<hbm>>) target_semaphore(%arg18 : memref<!tpu.dma_semaphore, #tpu.memory_space<semaphore_mem>>)
    %add3A_70 = arith.constant 192 : i32
    %add3A_71 = arith.addi %mul3A_2, %add3A_70 : i32
    %dma_wait3A_72 = arith.constant 0 : i32
    %dma_wait3A_73 = tpu.memref_slice %arg4[%add3A_71, %dma_wait3A_72] : memref<49152x128xf32, #tpu.memory_space<hbm>> -> memref<192x128xf32, #tpu.memory_space<hbm>>
    %dma_wait3A_74 = arith.constant 0 : i32
    %dma_wait3A_75 = tpu.memref_slice %arg4[%add3A_71, %dma_wait3A_74] : memref<49152x128xf32, #tpu.memory_space<hbm>> -> memref<192x128xf32, #tpu.memory_space<hbm>>
    tpu.wait_dma2 semaphore(%arg17 : memref<!tpu.dma_semaphore, #tpu.memory_space<semaphore_mem>>) src(%arg7 : memref<192x128xf32, #tpu.memory_space<vmem>>) dst(%dma_wait3A_75 : memref<192x128xf32, #tpu.memory_space<hbm>>)
    %dma_start3A_76 = arith.constant 1152 : i32
    %dma_start3A_77 = tpu.memref_slice %arg5[%dma_start3A_76] : memref<1536xi32, #tpu.memory_space<vmem>> -> memref<192xi32, #tpu.memory_space<vmem>>
    %dma_start3A_78 = arith.constant 0 : i32
    %dma_start3A_79 = arith.constant 0 : i32
    %dma_start3A_80 = tpu.memref_slice %arg2[%dma_start3A_78, %dma_start3A_79] : memref<1000000x128xf32, #tpu.memory_space<hbm>> -> memref<1000000x128xf32, #tpu.memory_space<hbm>>
    tpu.enqueue_indirect_dma source(%dma_start3A_80 : memref<1000000x128xf32, #tpu.memory_space<hbm>>) target(%arg7 : memref<192x128xf32, #tpu.memory_space<vmem>>) offsets(%dma_start3A_77 : memref<192xi32, #tpu.memory_space<vmem>>) semaphore(%arg12 : memref<!tpu.dma_semaphore, #tpu.memory_space<semaphore_mem>>)
    %dma_wait3A_81 = arith.constant 576 : i32
    %dma_wait3A_82 = tpu.memref_slice %arg5[%dma_wait3A_81] : memref<1536xi32, #tpu.memory_space<vmem>> -> memref<192xi32, #tpu.memory_space<vmem>>
    %dma_wait3A_83 = arith.constant 0 : i32
    %dma_wait3A_84 = arith.constant 0 : i32
    %dma_wait3A_85 = tpu.memref_slice %arg2[%dma_wait3A_83, %dma_wait3A_84] : memref<1000000x128xf32, #tpu.memory_space<hbm>> -> memref<1000000x128xf32, #tpu.memory_space<hbm>>
    tpu.wait_indirect_dma semaphore(%arg14 : memref<!tpu.dma_semaphore, #tpu.memory_space<semaphore_mem>>) src(%dma_wait3A_85 : memref<1000000x128xf32, #tpu.memory_space<hbm>>) dst(%arg9 : memref<192x128xf32, #tpu.memory_space<vmem>>)
    %add3A_86 = arith.constant 576 : i32
    %add3A_87 = arith.addi %mul3A_2, %add3A_86 : i32
    %dma_start3A_88 = arith.constant 0 : i32
    %dma_start3A_89 = tpu.memref_slice %arg4[%add3A_87, %dma_start3A_88] : memref<49152x128xf32, #tpu.memory_space<hbm>> -> memref<192x128xf32, #tpu.memory_space<hbm>>
    %dma_start3A_90 = arith.constant 0 : i32
    %dma_start3A_91 = tpu.memref_slice %arg4[%add3A_87, %dma_start3A_90] : memref<49152x128xf32, #tpu.memory_space<hbm>> -> memref<192x128xf32, #tpu.memory_space<hbm>>
    tpu.enqueue_dma source(%arg9 : memref<192x128xf32, #tpu.memory_space<vmem>>) target(%dma_start3A_91 : memref<192x128xf32, #tpu.memory_space<hbm>>) target_semaphore(%arg19 : memref<!tpu.dma_semaphore, #tpu.memory_space<semaphore_mem>>)
    %add3A_92 = arith.constant 384 : i32
    %add3A_93 = arith.addi %mul3A_2, %add3A_92 : i32
    %dma_wait3A_94 = arith.constant 0 : i32
    %dma_wait3A_95 = tpu.memref_slice %arg4[%add3A_93, %dma_wait3A_94] : memref<49152x128xf32, #tpu.memory_space<hbm>> -> memref<192x128xf32, #tpu.memory_space<hbm>>
    %dma_wait3A_96 = arith.constant 0 : i32
    %dma_wait3A_97 = tpu.memref_slice %arg4[%add3A_93, %dma_wait3A_96] : memref<49152x128xf32, #tpu.memory_space<hbm>> -> memref<192x128xf32, #tpu.memory_space<hbm>>
    tpu.wait_dma2 semaphore(%arg18 : memref<!tpu.dma_semaphore, #tpu.memory_space<semaphore_mem>>) src(%arg8 : memref<192x128xf32, #tpu.memory_space<vmem>>) dst(%dma_wait3A_97 : memref<192x128xf32, #tpu.memory_space<hbm>>)
    %dma_start3A_98 = arith.constant 1344 : i32
    %dma_start3A_99 = tpu.memref_slice %arg5[%dma_start3A_98] : memref<1536xi32, #tpu.memory_space<vmem>> -> memref<192xi32, #tpu.memory_space<vmem>>
    %dma_start3A_100 = arith.constant 0 : i32
    %dma_start3A_101 = arith.constant 0 : i32
    %dma_start3A_102 = tpu.memref_slice %arg2[%dma_start3A_100, %dma_start3A_101] : memref<1000000x128xf32, #tpu.memory_space<hbm>> -> memref<1000000x128xf32, #tpu.memory_space<hbm>>
    tpu.enqueue_indirect_dma source(%dma_start3A_102 : memref<1000000x128xf32, #tpu.memory_space<hbm>>) target(%arg8 : memref<192x128xf32, #tpu.memory_space<vmem>>) offsets(%dma_start3A_99 : memref<192xi32, #tpu.memory_space<vmem>>) semaphore(%arg13 : memref<!tpu.dma_semaphore, #tpu.memory_space<semaphore_mem>>)
    %dma_wait3A_103 = arith.constant 768 : i32
    %dma_wait3A_104 = tpu.memref_slice %arg5[%dma_wait3A_103] : memref<1536xi32, #tpu.memory_space<vmem>> -> memref<192xi32, #tpu.memory_space<vmem>>
    %dma_wait3A_105 = arith.constant 0 : i32
    %dma_wait3A_106 = arith.constant 0 : i32
    %dma_wait3A_107 = tpu.memref_slice %arg2[%dma_wait3A_105, %dma_wait3A_106] : memref<1000000x128xf32, #tpu.memory_space<hbm>> -> memref<1000000x128xf32, #tpu.memory_space<hbm>>
    tpu.wait_indirect_dma semaphore(%arg15 : memref<!tpu.dma_semaphore, #tpu.memory_space<semaphore_mem>>) src(%dma_wait3A_107 : memref<1000000x128xf32, #tpu.memory_space<hbm>>) dst(%arg10 : memref<192x128xf32, #tpu.memory_space<vmem>>)
    %add3A_108 = arith.constant 768 : i32
    %add3A_109 = arith.addi %mul3A_2, %add3A_108 : i32
    %dma_start3A_110 = arith.constant 0 : i32
    %dma_start3A_111 = tpu.memref_slice %arg4[%add3A_109, %dma_start3A_110] : memref<49152x128xf32, #tpu.memory_space<hbm>> -> memref<192x128xf32, #tpu.memory_space<hbm>>
    %dma_start3A_112 = arith.constant 0 : i32
    %dma_start3A_113 = tpu.memref_slice %arg4[%add3A_109, %dma_start3A_112] : memref<49152x128xf32, #tpu.memory_space<hbm>> -> memref<192x128xf32, #tpu.memory_space<hbm>>
    tpu.enqueue_dma source(%arg10 : memref<192x128xf32, #tpu.memory_space<vmem>>) target(%dma_start3A_113 : memref<192x128xf32, #tpu.memory_space<hbm>>) target_semaphore(%arg20 : memref<!tpu.dma_semaphore, #tpu.memory_space<semaphore_mem>>)
    %dma_wait3A_114 = arith.constant 960 : i32
    %dma_wait3A_115 = tpu.memref_slice %arg5[%dma_wait3A_114] : memref<1536xi32, #tpu.memory_space<vmem>> -> memref<192xi32, #tpu.memory_space<vmem>>
    %dma_wait3A_116 = arith.constant 0 : i32
    %dma_wait3A_117 = arith.constant 0 : i32
    %dma_wait3A_118 = tpu.memref_slice %arg2[%dma_wait3A_116, %dma_wait3A_117] : memref<1000000x128xf32, #tpu.memory_space<hbm>> -> memref<1000000x128xf32, #tpu.memory_space<hbm>>
    tpu.wait_indirect_dma semaphore(%arg11 : memref<!tpu.dma_semaphore, #tpu.memory_space<semaphore_mem>>) src(%dma_wait3A_118 : memref<1000000x128xf32, #tpu.memory_space<hbm>>) dst(%arg6 : memref<192x128xf32, #tpu.memory_space<vmem>>)
    %add3A_119 = arith.constant 960 : i32
    %add3A_120 = arith.addi %mul3A_2, %add3A_119 : i32
    %dma_start3A_121 = arith.constant 0 : i32
    %dma_start3A_122 = tpu.memref_slice %arg4[%add3A_120, %dma_start3A_121] : memref<49152x128xf32, #tpu.memory_space<hbm>> -> memref<192x128xf32, #tpu.memory_space<hbm>>
    %dma_start3A_123 = arith.constant 0 : i32
    %dma_start3A_124 = tpu.memref_slice %arg4[%add3A_120, %dma_start3A_123] : memref<49152x128xf32, #tpu.memory_space<hbm>> -> memref<192x128xf32, #tpu.memory_space<hbm>>
    tpu.enqueue_dma source(%arg6 : memref<192x128xf32, #tpu.memory_space<vmem>>) target(%dma_start3A_124 : memref<192x128xf32, #tpu.memory_space<hbm>>) target_semaphore(%arg16 : memref<!tpu.dma_semaphore, #tpu.memory_space<semaphore_mem>>)
    %dma_wait3A_125 = arith.constant 1152 : i32
    %dma_wait3A_126 = tpu.memref_slice %arg5[%dma_wait3A_125] : memref<1536xi32, #tpu.memory_space<vmem>> -> memref<192xi32, #tpu.memory_space<vmem>>
    %dma_wait3A_127 = arith.constant 0 : i32
    %dma_wait3A_128 = arith.constant 0 : i32
    %dma_wait3A_129 = tpu.memref_slice %arg2[%dma_wait3A_127, %dma_wait3A_128] : memref<1000000x128xf32, #tpu.memory_space<hbm>> -> memref<1000000x128xf32, #tpu.memory_space<hbm>>
    tpu.wait_indirect_dma semaphore(%arg12 : memref<!tpu.dma_semaphore, #tpu.memory_space<semaphore_mem>>) src(%dma_wait3A_129 : memref<1000000x128xf32, #tpu.memory_space<hbm>>) dst(%arg7 : memref<192x128xf32, #tpu.memory_space<vmem>>)
    %add3A_130 = arith.constant 1152 : i32
    %add3A_131 = arith.addi %mul3A_2, %add3A_130 : i32
    %dma_start3A_132 = arith.constant 0 : i32
    %dma_start3A_133 = tpu.memref_slice %arg4[%add3A_131, %dma_start3A_132] : memref<49152x128xf32, #tpu.memory_space<hbm>> -> memref<192x128xf32, #tpu.memory_space<hbm>>
    %dma_start3A_134 = arith.constant 0 : i32
    %dma_start3A_135 = tpu.memref_slice %arg4[%add3A_131, %dma_start3A_134] : memref<49152x128xf32, #tpu.memory_space<hbm>> -> memref<192x128xf32, #tpu.memory_space<hbm>>
    tpu.enqueue_dma source(%arg7 : memref<192x128xf32, #tpu.memory_space<vmem>>) target(%dma_start3A_135 : memref<192x128xf32, #tpu.memory_space<hbm>>) target_semaphore(%arg17 : memref<!tpu.dma_semaphore, #tpu.memory_space<semaphore_mem>>)
    %dma_wait3A_136 = arith.constant 1344 : i32
    %dma_wait3A_137 = tpu.memref_slice %arg5[%dma_wait3A_136] : memref<1536xi32, #tpu.memory_space<vmem>> -> memref<192xi32, #tpu.memory_space<vmem>>
    %dma_wait3A_138 = arith.constant 0 : i32
    %dma_wait3A_139 = arith.constant 0 : i32
    %dma_wait3A_140 = tpu.memref_slice %arg2[%dma_wait3A_138, %dma_wait3A_139] : memref<1000000x128xf32, #tpu.memory_space<hbm>> -> memref<1000000x128xf32, #tpu.memory_space<hbm>>
    tpu.wait_indirect_dma semaphore(%arg13 : memref<!tpu.dma_semaphore, #tpu.memory_space<semaphore_mem>>) src(%dma_wait3A_140 : memref<1000000x128xf32, #tpu.memory_space<hbm>>) dst(%arg8 : memref<192x128xf32, #tpu.memory_space<vmem>>)
    %add3A_141 = arith.constant 1344 : i32
    %add3A_142 = arith.addi %mul3A_2, %add3A_141 : i32
    %dma_start3A_143 = arith.constant 0 : i32
    %dma_start3A_144 = tpu.memref_slice %arg4[%add3A_142, %dma_start3A_143] : memref<49152x128xf32, #tpu.memory_space<hbm>> -> memref<192x128xf32, #tpu.memory_space<hbm>>
    %dma_start3A_145 = arith.constant 0 : i32
    %dma_start3A_146 = tpu.memref_slice %arg4[%add3A_142, %dma_start3A_145] : memref<49152x128xf32, #tpu.memory_space<hbm>> -> memref<192x128xf32, #tpu.memory_space<hbm>>
    tpu.enqueue_dma source(%arg8 : memref<192x128xf32, #tpu.memory_space<vmem>>) target(%dma_start3A_146 : memref<192x128xf32, #tpu.memory_space<hbm>>) target_semaphore(%arg18 : memref<!tpu.dma_semaphore, #tpu.memory_space<semaphore_mem>>)
    %add3A_147 = arith.constant 576 : i32
    %add3A_148 = arith.addi %mul3A_2, %add3A_147 : i32
    %dma_wait3A_149 = arith.constant 0 : i32
    %dma_wait3A_150 = tpu.memref_slice %arg4[%add3A_148, %dma_wait3A_149] : memref<49152x128xf32, #tpu.memory_space<hbm>> -> memref<192x128xf32, #tpu.memory_space<hbm>>
    %dma_wait3A_151 = arith.constant 0 : i32
    %dma_wait3A_152 = tpu.memref_slice %arg4[%add3A_148, %dma_wait3A_151] : memref<49152x128xf32, #tpu.memory_space<hbm>> -> memref<192x128xf32, #tpu.memory_space<hbm>>
    tpu.wait_dma2 semaphore(%arg19 : memref<!tpu.dma_semaphore, #tpu.memory_space<semaphore_mem>>) src(%arg9 : memref<192x128xf32, #tpu.memory_space<vmem>>) dst(%dma_wait3A_152 : memref<192x128xf32, #tpu.memory_space<hbm>>)
    %add3A_153 = arith.constant 768 : i32
    %add3A_154 = arith.addi %mul3A_2, %add3A_153 : i32
    %dma_wait3A_155 = arith.constant 0 : i32
    %dma_wait3A_156 = tpu.memref_slice %arg4[%add3A_154, %dma_wait3A_155] : memref<49152x128xf32, #tpu.memory_space<hbm>> -> memref<192x128xf32, #tpu.memory_space<hbm>>
    %dma_wait3A_157 = arith.constant 0 : i32
    %dma_wait3A_158 = tpu.memref_slice %arg4[%add3A_154, %dma_wait3A_157] : memref<49152x128xf32, #tpu.memory_space<hbm>> -> memref<192x128xf32, #tpu.memory_space<hbm>>
    tpu.wait_dma2 semaphore(%arg20 : memref<!tpu.dma_semaphore, #tpu.memory_space<semaphore_mem>>) src(%arg10 : memref<192x128xf32, #tpu.memory_space<vmem>>) dst(%dma_wait3A_158 : memref<192x128xf32, #tpu.memory_space<hbm>>)
    %add3A_159 = arith.constant 960 : i32
    %add3A_160 = arith.addi %mul3A_2, %add3A_159 : i32
    %dma_wait3A_161 = arith.constant 0 : i32
    %dma_wait3A_162 = tpu.memref_slice %arg4[%add3A_160, %dma_wait3A_161] : memref<49152x128xf32, #tpu.memory_space<hbm>> -> memref<192x128xf32, #tpu.memory_space<hbm>>
    %dma_wait3A_163 = arith.constant 0 : i32
    %dma_wait3A_164 = tpu.memref_slice %arg4[%add3A_160, %dma_wait3A_163] : memref<49152x128xf32, #tpu.memory_space<hbm>> -> memref<192x128xf32, #tpu.memory_space<hbm>>
    tpu.wait_dma2 semaphore(%arg16 : memref<!tpu.dma_semaphore, #tpu.memory_space<semaphore_mem>>) src(%arg6 : memref<192x128xf32, #tpu.memory_space<vmem>>) dst(%dma_wait3A_164 : memref<192x128xf32, #tpu.memory_space<hbm>>)
    %add3A_165 = arith.constant 1152 : i32
    %add3A_166 = arith.addi %mul3A_2, %add3A_165 : i32
    %dma_wait3A_167 = arith.constant 0 : i32
    %dma_wait3A_168 = tpu.memref_slice %arg4[%add3A_166, %dma_wait3A_167] : memref<49152x128xf32, #tpu.memory_space<hbm>> -> memref<192x128xf32, #tpu.memory_space<hbm>>
    %dma_wait3A_169 = arith.constant 0 : i32
    %dma_wait3A_170 = tpu.memref_slice %arg4[%add3A_166, %dma_wait3A_169] : memref<49152x128xf32, #tpu.memory_space<hbm>> -> memref<192x128xf32, #tpu.memory_space<hbm>>
    tpu.wait_dma2 semaphore(%arg17 : memref<!tpu.dma_semaphore, #tpu.memory_space<semaphore_mem>>) src(%arg7 : memref<192x128xf32, #tpu.memory_space<vmem>>) dst(%dma_wait3A_170 : memref<192x128xf32, #tpu.memory_space<hbm>>)
    %add3A_171 = arith.constant 1344 : i32
    %add3A_172 = arith.addi %mul3A_2, %add3A_171 : i32
    %dma_wait3A_173 = arith.constant 0 : i32
    %dma_wait3A_174 = tpu.memref_slice %arg4[%add3A_172, %dma_wait3A_173] : memref<49152x128xf32, #tpu.memory_space<hbm>> -> memref<192x128xf32, #tpu.memory_space<hbm>>
    %dma_wait3A_175 = arith.constant 0 : i32
    %dma_wait3A_176 = tpu.memref_slice %arg4[%add3A_172, %dma_wait3A_175] : memref<49152x128xf32, #tpu.memory_space<hbm>> -> memref<192x128xf32, #tpu.memory_space<hbm>>
    tpu.wait_dma2 semaphore(%arg18 : memref<!tpu.dma_semaphore, #tpu.memory_space<semaphore_mem>>) src(%arg8 : memref<192x128xf32, #tpu.memory_space<vmem>>) dst(%dma_wait3A_176 : memref<192x128xf32, #tpu.memory_space<hbm>>)
    return
  }
}

#map = affine_map<(d0, d1) -> (0, 0)>
#map1 = affine_map<(d0, d1) -> (0)>
module attributes {stable_mosaic.version = 14 : i64} {
  func.func @gather(%arg0: i32, %arg1: i32, %arg2: memref<1000000x128xf32, #tpu.memory_space<hbm>>, %arg3: memref<49152xi32, #tpu.memory_space<hbm>>, %arg4: memref<49152x128xf32, #tpu.memory_space<hbm>>, %arg5: memref<1536xi32, #tpu.memory_space<vmem>>, %arg6: memref<192x128xf32, #tpu.memory_space<vmem>>, %arg7: memref<192x128xf32, #tpu.memory_space<vmem>>, %arg8: memref<192x128xf32, #tpu.memory_space<vmem>>, %arg9: memref<192x128xf32, #tpu.memory_space<vmem>>, %arg10: memref<192x128xf32, #tpu.memory_space<vmem>>, %arg11: memref<!tpu.dma_semaphore, #tpu.memory_space<semaphore_mem>>, %arg12: memref<!tpu.dma_semaphore, #tpu.memory_space<semaphore_mem>>, %arg13: memref<!tpu.dma_semaphore, #tpu.memory_space<semaphore_mem>>, %arg14: memref<!tpu.dma_semaphore, #tpu.memory_space<semaphore_mem>>, %arg15: memref<!tpu.dma_semaphore, #tpu.memory_space<semaphore_mem>>, %arg16: memref<!tpu.dma_semaphore, #tpu.memory_space<semaphore_mem>>, %arg17: memref<!tpu.dma_semaphore, #tpu.memory_space<semaphore_mem>>, %arg18: memref<!tpu.dma_semaphore, #tpu.memory_space<semaphore_mem>>, %arg19: memref<!tpu.dma_semaphore, #tpu.memory_space<semaphore_mem>>, %arg20: memref<!tpu.dma_semaphore, #tpu.memory_space<semaphore_mem>>) attributes {dimension_semantics = [#tpu.dimension_semantics<core_parallel>, #tpu.dimension_semantics<subcore_parallel>], iteration_bounds = array<i64: 2, 16>, scalar_prefetch = 0 : i64, scratch_operands = 16 : i64, tpu.core_type = #tpu.core_type<sc_vector_subcore>, window_params = [{transform_indices = #map}, {transform_indices = #map1}, {transform_indices = #map}]} {
    %mul3A = arith.constant 2 : i32
    %mul3A_0 = arith.muli %arg1, %mul3A : i32
    %add3A = arith.addi %mul3A_0, %arg0 : i32
    %mul3A_1 = arith.constant 1536 : i32
    %mul3A_2 = arith.muli %add3A, %mul3A_1 : i32
    "tpu.region"() ({
      %run_scoped3A = tpu.sem_alloc : memref<!tpu.dma_semaphore, #tpu.memory_space<semaphore_mem>>
      %dma_start3A_177 = tpu.memref_slice %arg3[%mul3A_2] : memref<49152xi32, #tpu.memory_space<hbm>> -> memref<1536xi32, #tpu.memory_space<hbm>>
      %dma_start3A_178 = tpu.memref_slice %arg3[%mul3A_2] : memref<49152xi32, #tpu.memory_space<hbm>> -> memref<1536xi32, #tpu.memory_space<hbm>>
      tpu.enqueue_dma source(%dma_start3A_178 : memref<1536xi32, #tpu.memory_space<hbm>>) target(%arg5 : memref<1536xi32, #tpu.memory_space<vmem>>) target_semaphore(%run_scoped3A : memref<!tpu.dma_semaphore, #tpu.memory_space<semaphore_mem>>)
      %dma_wait3A_179 = tpu.memref_slice %arg3[%mul3A_2] : memref<49152xi32, #tpu.memory_space<hbm>> -> memref<1536xi32, #tpu.memory_space<hbm>>
      %dma_wait3A_180 = tpu.memref_slice %arg3[%mul3A_2] : memref<49152xi32, #tpu.memory_space<hbm>> -> memref<1536xi32, #tpu.memory_space<hbm>>
      tpu.wait_dma2 semaphore(%run_scoped3A : memref<!tpu.dma_semaphore, #tpu.memory_space<semaphore_mem>>) src(%dma_wait3A_180 : memref<1536xi32, #tpu.memory_space<hbm>>) dst(%arg5 : memref<1536xi32, #tpu.memory_space<vmem>>)
      tpu.yield
    }) : () -> ()
    %dma_start3A = arith.constant 0 : i32
    %dma_start3A_3 = tpu.memref_slice %arg5[%dma_start3A] : memref<1536xi32, #tpu.memory_space<vmem>> -> memref<192xi32, #tpu.memory_space<vmem>>
    %dma_start3A_4 = arith.constant 0 : i32
    %dma_start3A_5 = arith.constant 0 : i32
    %dma_start3A_6 = tpu.memref_slice %arg2[%dma_start3A_4, %dma_start3A_5] : memref<1000000x128xf32, #tpu.memory_space<hbm>> -> memref<1000000x128xf32, #tpu.memory_space<hbm>>
    tpu.enqueue_indirect_dma source(%dma_start3A_6 : memref<1000000x128xf32, #tpu.memory_space<hbm>>) target(%arg6 : memref<192x128xf32, #tpu.memory_space<vmem>>) offsets(%dma_start3A_3 : memref<192xi32, #tpu.memory_space<vmem>>) semaphore(%arg11 : memref<!tpu.dma_semaphore, #tpu.memory_space<semaphore_mem>>)
    %dma_start3A_7 = arith.constant 192 : i32
    %dma_start3A_8 = tpu.memref_slice %arg5[%dma_start3A_7] : memref<1536xi32, #tpu.memory_space<vmem>> -> memref<192xi32, #tpu.memory_space<vmem>>
    %dma_start3A_9 = arith.constant 0 : i32
    %dma_start3A_10 = arith.constant 0 : i32
    %dma_start3A_11 = tpu.memref_slice %arg2[%dma_start3A_9, %dma_start3A_10] : memref<1000000x128xf32, #tpu.memory_space<hbm>> -> memref<1000000x128xf32, #tpu.memory_space<hbm>>
    tpu.enqueue_indirect_dma source(%dma_start3A_11 : memref<1000000x128xf32, #tpu.memory_space<hbm>>) target(%arg7 : memref<192x128xf32, #tpu.memory_space<vmem>>) offsets(%dma_start3A_8 : memref<192xi32, #tpu.memory_space<vmem>>) semaphore(%arg12 : memref<!tpu.dma_semaphore, #tpu.memory_space<semaphore_mem>>)
    %dma_start3A_12 = arith.constant 384 : i32
    %dma_start3A_13 = tpu.memref_slice %arg5[%dma_start3A_12] : memref<1536xi32, #tpu.memory_space<vmem>> -> memref<192xi32, #tpu.memory_space<vmem>>
    %dma_start3A_14 = arith.constant 0 : i32
    %dma_start3A_15 = arith.constant 0 : i32
    %dma_start3A_16 = tpu.memref_slice %arg2[%dma_start3A_14, %dma_start3A_15] : memref<1000000x128xf32, #tpu.memory_space<hbm>> -> memref<1000000x128xf32, #tpu.memory_space<hbm>>
    tpu.enqueue_indirect_dma source(%dma_start3A_16 : memref<1000000x128xf32, #tpu.memory_space<hbm>>) target(%arg8 : memref<192x128xf32, #tpu.memory_space<vmem>>) offsets(%dma_start3A_13 : memref<192xi32, #tpu.memory_space<vmem>>) semaphore(%arg13 : memref<!tpu.dma_semaphore, #tpu.memory_space<semaphore_mem>>)
    %dma_start3A_17 = arith.constant 576 : i32
    %dma_start3A_18 = tpu.memref_slice %arg5[%dma_start3A_17] : memref<1536xi32, #tpu.memory_space<vmem>> -> memref<192xi32, #tpu.memory_space<vmem>>
    %dma_start3A_19 = arith.constant 0 : i32
    %dma_start3A_20 = arith.constant 0 : i32
    %dma_start3A_21 = tpu.memref_slice %arg2[%dma_start3A_19, %dma_start3A_20] : memref<1000000x128xf32, #tpu.memory_space<hbm>> -> memref<1000000x128xf32, #tpu.memory_space<hbm>>
    tpu.enqueue_indirect_dma source(%dma_start3A_21 : memref<1000000x128xf32, #tpu.memory_space<hbm>>) target(%arg9 : memref<192x128xf32, #tpu.memory_space<vmem>>) offsets(%dma_start3A_18 : memref<192xi32, #tpu.memory_space<vmem>>) semaphore(%arg14 : memref<!tpu.dma_semaphore, #tpu.memory_space<semaphore_mem>>)
    %dma_wait3A = arith.constant 0 : i32
    %dma_wait3A_22 = tpu.memref_slice %arg5[%dma_wait3A] : memref<1536xi32, #tpu.memory_space<vmem>> -> memref<192xi32, #tpu.memory_space<vmem>>
    %dma_wait3A_23 = arith.constant 0 : i32
    %dma_wait3A_24 = arith.constant 0 : i32
    %dma_wait3A_25 = tpu.memref_slice %arg2[%dma_wait3A_23, %dma_wait3A_24] : memref<1000000x128xf32, #tpu.memory_space<hbm>> -> memref<1000000x128xf32, #tpu.memory_space<hbm>>
    tpu.wait_indirect_dma semaphore(%arg11 : memref<!tpu.dma_semaphore, #tpu.memory_space<semaphore_mem>>) src(%dma_wait3A_25 : memref<1000000x128xf32, #tpu.memory_space<hbm>>) dst(%arg6 : memref<192x128xf32, #tpu.memory_space<vmem>>)
    %add3A_26 = arith.constant 0 : i32
    %add3A_27 = arith.addi %mul3A_2, %add3A_26 : i32
    %dma_start3A_28 = arith.constant 0 : i32
    %dma_start3A_29 = tpu.memref_slice %arg4[%add3A_27, %dma_start3A_28] : memref<49152x128xf32, #tpu.memory_space<hbm>> -> memref<192x128xf32, #tpu.memory_space<hbm>>
    %dma_start3A_30 = arith.constant 0 : i32
    %dma_start3A_31 = tpu.memref_slice %arg4[%add3A_27, %dma_start3A_30] : memref<49152x128xf32, #tpu.memory_space<hbm>> -> memref<192x128xf32, #tpu.memory_space<hbm>>
    tpu.enqueue_dma source(%arg6 : memref<192x128xf32, #tpu.memory_space<vmem>>) target(%dma_start3A_31 : memref<192x128xf32, #tpu.memory_space<hbm>>) target_semaphore(%arg16 : memref<!tpu.dma_semaphore, #tpu.memory_space<semaphore_mem>>)
    %dma_start3A_32 = arith.constant 768 : i32
    %dma_start3A_33 = tpu.memref_slice %arg5[%dma_start3A_32] : memref<1536xi32, #tpu.memory_space<vmem>> -> memref<192xi32, #tpu.memory_space<vmem>>
    %dma_start3A_34 = arith.constant 0 : i32
    %dma_start3A_35 = arith.constant 0 : i32
    %dma_start3A_36 = tpu.memref_slice %arg2[%dma_start3A_34, %dma_start3A_35] : memref<1000000x128xf32, #tpu.memory_space<hbm>> -> memref<1000000x128xf32, #tpu.memory_space<hbm>>
    tpu.enqueue_indirect_dma source(%dma_start3A_36 : memref<1000000x128xf32, #tpu.memory_space<hbm>>) target(%arg10 : memref<192x128xf32, #tpu.memory_space<vmem>>) offsets(%dma_start3A_33 : memref<192xi32, #tpu.memory_space<vmem>>) semaphore(%arg15 : memref<!tpu.dma_semaphore, #tpu.memory_space<semaphore_mem>>)
    %dma_wait3A_37 = arith.constant 192 : i32
    %dma_wait3A_38 = tpu.memref_slice %arg5[%dma_wait3A_37] : memref<1536xi32, #tpu.memory_space<vmem>> -> memref<192xi32, #tpu.memory_space<vmem>>
    %dma_wait3A_39 = arith.constant 0 : i32
    %dma_wait3A_40 = arith.constant 0 : i32
    %dma_wait3A_41 = tpu.memref_slice %arg2[%dma_wait3A_39, %dma_wait3A_40] : memref<1000000x128xf32, #tpu.memory_space<hbm>> -> memref<1000000x128xf32, #tpu.memory_space<hbm>>
    tpu.wait_indirect_dma semaphore(%arg12 : memref<!tpu.dma_semaphore, #tpu.memory_space<semaphore_mem>>) src(%dma_wait3A_41 : memref<1000000x128xf32, #tpu.memory_space<hbm>>) dst(%arg7 : memref<192x128xf32, #tpu.memory_space<vmem>>)
    %add3A_42 = arith.constant 192 : i32
    %add3A_43 = arith.addi %mul3A_2, %add3A_42 : i32
    %dma_start3A_44 = arith.constant 0 : i32
    %dma_start3A_45 = tpu.memref_slice %arg4[%add3A_43, %dma_start3A_44] : memref<49152x128xf32, #tpu.memory_space<hbm>> -> memref<192x128xf32, #tpu.memory_space<hbm>>
    %dma_start3A_46 = arith.constant 0 : i32
    %dma_start3A_47 = tpu.memref_slice %arg4[%add3A_43, %dma_start3A_46] : memref<49152x128xf32, #tpu.memory_space<hbm>> -> memref<192x128xf32, #tpu.memory_space<hbm>>
    tpu.enqueue_dma source(%arg7 : memref<192x128xf32, #tpu.memory_space<vmem>>) target(%dma_start3A_47 : memref<192x128xf32, #tpu.memory_space<hbm>>) target_semaphore(%arg17 : memref<!tpu.dma_semaphore, #tpu.memory_space<semaphore_mem>>)
    %add3A_48 = arith.constant 0 : i32
    %add3A_49 = arith.addi %mul3A_2, %add3A_48 : i32
    %dma_wait3A_50 = arith.constant 0 : i32
    %dma_wait3A_51 = tpu.memref_slice %arg4[%add3A_49, %dma_wait3A_50] : memref<49152x128xf32, #tpu.memory_space<hbm>> -> memref<192x128xf32, #tpu.memory_space<hbm>>
    %dma_wait3A_52 = arith.constant 0 : i32
    %dma_wait3A_53 = tpu.memref_slice %arg4[%add3A_49, %dma_wait3A_52] : memref<49152x128xf32, #tpu.memory_space<hbm>> -> memref<192x128xf32, #tpu.memory_space<hbm>>
    tpu.wait_dma2 semaphore(%arg16 : memref<!tpu.dma_semaphore, #tpu.memory_space<semaphore_mem>>) src(%arg6 : memref<192x128xf32, #tpu.memory_space<vmem>>) dst(%dma_wait3A_53 : memref<192x128xf32, #tpu.memory_space<hbm>>)
    %dma_start3A_54 = arith.constant 960 : i32
    %dma_start3A_55 = tpu.memref_slice %arg5[%dma_start3A_54] : memref<1536xi32, #tpu.memory_space<vmem>> -> memref<192xi32, #tpu.memory_space<vmem>>
    %dma_start3A_56 = arith.constant 0 : i32
    %dma_start3A_57 = arith.constant 0 : i32
    %dma_start3A_58 = tpu.memref_slice %arg2[%dma_start3A_56, %dma_start3A_57] : memref<1000000x128xf32, #tpu.memory_space<hbm>> -> memref<1000000x128xf32, #tpu.memory_space<hbm>>
    tpu.enqueue_indirect_dma source(%dma_start3A_58 : memref<1000000x128xf32, #tpu.memory_space<hbm>>) target(%arg6 : memref<192x128xf32, #tpu.memory_space<vmem>>) offsets(%dma_start3A_55 : memref<192xi32, #tpu.memory_space<vmem>>) semaphore(%arg11 : memref<!tpu.dma_semaphore, #tpu.memory_space<semaphore_mem>>)
    %dma_wait3A_59 = arith.constant 384 : i32
    %dma_wait3A_60 = tpu.memref_slice %arg5[%dma_wait3A_59] : memref<1536xi32, #tpu.memory_space<vmem>> -> memref<192xi32, #tpu.memory_space<vmem>>
    %dma_wait3A_61 = arith.constant 0 : i32
    %dma_wait3A_62 = arith.constant 0 : i32
    %dma_wait3A_63 = tpu.memref_slice %arg2[%dma_wait3A_61, %dma_wait3A_62] : memref<1000000x128xf32, #tpu.memory_space<hbm>> -> memref<1000000x128xf32, #tpu.memory_space<hbm>>
    tpu.wait_indirect_dma semaphore(%arg13 : memref<!tpu.dma_semaphore, #tpu.memory_space<semaphore_mem>>) src(%dma_wait3A_63 : memref<1000000x128xf32, #tpu.memory_space<hbm>>) dst(%arg8 : memref<192x128xf32, #tpu.memory_space<vmem>>)
    %add3A_64 = arith.constant 384 : i32
    %add3A_65 = arith.addi %mul3A_2, %add3A_64 : i32
    %dma_start3A_66 = arith.constant 0 : i32
    %dma_start3A_67 = tpu.memref_slice %arg4[%add3A_65, %dma_start3A_66] : memref<49152x128xf32, #tpu.memory_space<hbm>> -> memref<192x128xf32, #tpu.memory_space<hbm>>
    %dma_start3A_68 = arith.constant 0 : i32
    %dma_start3A_69 = tpu.memref_slice %arg4[%add3A_65, %dma_start3A_68] : memref<49152x128xf32, #tpu.memory_space<hbm>> -> memref<192x128xf32, #tpu.memory_space<hbm>>
    tpu.enqueue_dma source(%arg8 : memref<192x128xf32, #tpu.memory_space<vmem>>) target(%dma_start3A_69 : memref<192x128xf32, #tpu.memory_space<hbm>>) target_semaphore(%arg18 : memref<!tpu.dma_semaphore, #tpu.memory_space<semaphore_mem>>)
    %add3A_70 = arith.constant 192 : i32
    %add3A_71 = arith.addi %mul3A_2, %add3A_70 : i32
    %dma_wait3A_72 = arith.constant 0 : i32
    %dma_wait3A_73 = tpu.memref_slice %arg4[%add3A_71, %dma_wait3A_72] : memref<49152x128xf32, #tpu.memory_space<hbm>> -> memref<192x128xf32, #tpu.memory_space<hbm>>
    %dma_wait3A_74 = arith.constant 0 : i32
    %dma_wait3A_75 = tpu.memref_slice %arg4[%add3A_71, %dma_wait3A_74] : memref<49152x128xf32, #tpu.memory_space<hbm>> -> memref<192x128xf32, #tpu.memory_space<hbm>>
    tpu.wait_dma2 semaphore(%arg17 : memref<!tpu.dma_semaphore, #tpu.memory_space<semaphore_mem>>) src(%arg7 : memref<192x128xf32, #tpu.memory_space<vmem>>) dst(%dma_wait3A_75 : memref<192x128xf32, #tpu.memory_space<hbm>>)
    %dma_start3A_76 = arith.constant 1152 : i32
    %dma_start3A_77 = tpu.memref_slice %arg5[%dma_start3A_76] : memref<1536xi32, #tpu.memory_space<vmem>> -> memref<192xi32, #tpu.memory_space<vmem>>
    %dma_start3A_78 = arith.constant 0 : i32
    %dma_start3A_79 = arith.constant 0 : i32
    %dma_start3A_80 = tpu.memref_slice %arg2[%dma_start3A_78, %dma_start3A_79] : memref<1000000x128xf32, #tpu.memory_space<hbm>> -> memref<1000000x128xf32, #tpu.memory_space<hbm>>
    tpu.enqueue_indirect_dma source(%dma_start3A_80 : memref<1000000x128xf32, #tpu.memory_space<hbm>>) target(%arg7 : memref<192x128xf32, #tpu.memory_space<vmem>>) offsets(%dma_start3A_77 : memref<192xi32, #tpu.memory_space<vmem>>) semaphore(%arg12 : memref<!tpu.dma_semaphore, #tpu.memory_space<semaphore_mem>>)
    %dma_wait3A_81 = arith.constant 576 : i32
    %dma_wait3A_82 = tpu.memref_slice %arg5[%dma_wait3A_81] : memref<1536xi32, #tpu.memory_space<vmem>> -> memref<192xi32, #tpu.memory_space<vmem>>
    %dma_wait3A_83 = arith.constant 0 : i32
    %dma_wait3A_84 = arith.constant 0 : i32
    %dma_wait3A_85 = tpu.memref_slice %arg2[%dma_wait3A_83, %dma_wait3A_84] : memref<1000000x128xf32, #tpu.memory_space<hbm>> -> memref<1000000x128xf32, #tpu.memory_space<hbm>>
    tpu.wait_indirect_dma semaphore(%arg14 : memref<!tpu.dma_semaphore, #tpu.memory_space<semaphore_mem>>) src(%dma_wait3A_85 : memref<1000000x128xf32, #tpu.memory_space<hbm>>) dst(%arg9 : memref<192x128xf32, #tpu.memory_space<vmem>>)
    %add3A_86 = arith.constant 576 : i32
    %add3A_87 = arith.addi %mul3A_2, %add3A_86 : i32
    %dma_start3A_88 = arith.constant 0 : i32
    %dma_start3A_89 = tpu.memref_slice %arg4[%add3A_87, %dma_start3A_88] : memref<49152x128xf32, #tpu.memory_space<hbm>> -> memref<192x128xf32, #tpu.memory_space<hbm>>
    %dma_start3A_90 = arith.constant 0 : i32
    %dma_start3A_91 = tpu.memref_slice %arg4[%add3A_87, %dma_start3A_90] : memref<49152x128xf32, #tpu.memory_space<hbm>> -> memref<192x128xf32, #tpu.memory_space<hbm>>
    tpu.enqueue_dma source(%arg9 : memref<192x128xf32, #tpu.memory_space<vmem>>) target(%dma_start3A_91 : memref<192x128xf32, #tpu.memory_space<hbm>>) target_semaphore(%arg19 : memref<!tpu.dma_semaphore, #tpu.memory_space<semaphore_mem>>)
    %add3A_92 = arith.constant 384 : i32
    %add3A_93 = arith.addi %mul3A_2, %add3A_92 : i32
    %dma_wait3A_94 = arith.constant 0 : i32
    %dma_wait3A_95 = tpu.memref_slice %arg4[%add3A_93, %dma_wait3A_94] : memref<49152x128xf32, #tpu.memory_space<hbm>> -> memref<192x128xf32, #tpu.memory_space<hbm>>
    %dma_wait3A_96 = arith.constant 0 : i32
    %dma_wait3A_97 = tpu.memref_slice %arg4[%add3A_93, %dma_wait3A_96] : memref<49152x128xf32, #tpu.memory_space<hbm>> -> memref<192x128xf32, #tpu.memory_space<hbm>>
    tpu.wait_dma2 semaphore(%arg18 : memref<!tpu.dma_semaphore, #tpu.memory_space<semaphore_mem>>) src(%arg8 : memref<192x128xf32, #tpu.memory_space<vmem>>) dst(%dma_wait3A_97 : memref<192x128xf32, #tpu.memory_space<hbm>>)
    %dma_start3A_98 = arith.constant 1344 : i32
    %dma_start3A_99 = tpu.memref_slice %arg5[%dma_start3A_98] : memref<1536xi32, #tpu.memory_space<vmem>> -> memref<192xi32, #tpu.memory_space<vmem>>
    %dma_start3A_100 = arith.constant 0 : i32
    %dma_start3A_101 = arith.constant 0 : i32
    %dma_start3A_102 = tpu.memref_slice %arg2[%dma_start3A_100, %dma_start3A_101] : memref<1000000x128xf32, #tpu.memory_space<hbm>> -> memref<1000000x128xf32, #tpu.memory_space<hbm>>
    tpu.enqueue_indirect_dma source(%dma_start3A_102 : memref<1000000x128xf32, #tpu.memory_space<hbm>>) target(%arg8 : memref<192x128xf32, #tpu.memory_space<vmem>>) offsets(%dma_start3A_99 : memref<192xi32, #tpu.memory_space<vmem>>) semaphore(%arg13 : memref<!tpu.dma_semaphore, #tpu.memory_space<semaphore_mem>>)
    %dma_wait3A_103 = arith.constant 768 : i32
    %dma_wait3A_104 = tpu.memref_slice %arg5[%dma_wait3A_103] : memref<1536xi32, #tpu.memory_space<vmem>> -> memref<192xi32, #tpu.memory_space<vmem>>
    %dma_wait3A_105 = arith.constant 0 : i32
    %dma_wait3A_106 = arith.constant 0 : i32
    %dma_wait3A_107 = tpu.memref_slice %arg2[%dma_wait3A_105, %dma_wait3A_106] : memref<1000000x128xf32, #tpu.memory_space<hbm>> -> memref<1000000x128xf32, #tpu.memory_space<hbm>>
    tpu.wait_indirect_dma semaphore(%arg15 : memref<!tpu.dma_semaphore, #tpu.memory_space<semaphore_mem>>) src(%dma_wait3A_107 : memref<1000000x128xf32, #tpu.memory_space<hbm>>) dst(%arg10 : memref<192x128xf32, #tpu.memory_space<vmem>>)
    %add3A_108 = arith.constant 768 : i32
    %add3A_109 = arith.addi %mul3A_2, %add3A_108 : i32
    %dma_start3A_110 = arith.constant 0 : i32
    %dma_start3A_111 = tpu.memref_slice %arg4[%add3A_109, %dma_start3A_110] : memref<49152x128xf32, #tpu.memory_space<hbm>> -> memref<192x128xf32, #tpu.memory_space<hbm>>
    %dma_start3A_112 = arith.constant 0 : i32
    %dma_start3A_113 = tpu.memref_slice %arg4[%add3A_109, %dma_start3A_112] : memref<49152x128xf32, #tpu.memory_space<hbm>> -> memref<192x128xf32, #tpu.memory_space<hbm>>
    tpu.enqueue_dma source(%arg10 : memref<192x128xf32, #tpu.memory_space<vmem>>) target(%dma_start3A_113 : memref<192x128xf32, #tpu.memory_space<hbm>>) target_semaphore(%arg20 : memref<!tpu.dma_semaphore, #tpu.memory_space<semaphore_mem>>)
    %dma_wait3A_114 = arith.constant 960 : i32
    %dma_wait3A_115 = tpu.memref_slice %arg5[%dma_wait3A_114] : memref<1536xi32, #tpu.memory_space<vmem>> -> memref<192xi32, #tpu.memory_space<vmem>>
    %dma_wait3A_116 = arith.constant 0 : i32
    %dma_wait3A_117 = arith.constant 0 : i32
    %dma_wait3A_118 = tpu.memref_slice %arg2[%dma_wait3A_116, %dma_wait3A_117] : memref<1000000x128xf32, #tpu.memory_space<hbm>> -> memref<1000000x128xf32, #tpu.memory_space<hbm>>
    tpu.wait_indirect_dma semaphore(%arg11 : memref<!tpu.dma_semaphore, #tpu.memory_space<semaphore_mem>>) src(%dma_wait3A_118 : memref<1000000x128xf32, #tpu.memory_space<hbm>>) dst(%arg6 : memref<192x128xf32, #tpu.memory_space<vmem>>)
    %add3A_119 = arith.constant 960 : i32
    %add3A_120 = arith.addi %mul3A_2, %add3A_119 : i32
    %dma_start3A_121 = arith.constant 0 : i32
    %dma_start3A_122 = tpu.memref_slice %arg4[%add3A_120, %dma_start3A_121] : memref<49152x128xf32, #tpu.memory_space<hbm>> -> memref<192x128xf32, #tpu.memory_space<hbm>>
    %dma_start3A_123 = arith.constant 0 : i32
    %dma_start3A_124 = tpu.memref_slice %arg4[%add3A_120, %dma_start3A_123] : memref<49152x128xf32, #tpu.memory_space<hbm>> -> memref<192x128xf32, #tpu.memory_space<hbm>>
    tpu.enqueue_dma source(%arg6 : memref<192x128xf32, #tpu.memory_space<vmem>>) target(%dma_start3A_124 : memref<192x128xf32, #tpu.memory_space<hbm>>) target_semaphore(%arg16 : memref<!tpu.dma_semaphore, #tpu.memory_space<semaphore_mem>>)
    %dma_wait3A_125 = arith.constant 1152 : i32
    %dma_wait3A_126 = tpu.memref_slice %arg5[%dma_wait3A_125] : memref<1536xi32, #tpu.memory_space<vmem>> -> memref<192xi32, #tpu.memory_space<vmem>>
    %dma_wait3A_127 = arith.constant 0 : i32
    %dma_wait3A_128 = arith.constant 0 : i32
    %dma_wait3A_129 = tpu.memref_slice %arg2[%dma_wait3A_127, %dma_wait3A_128] : memref<1000000x128xf32, #tpu.memory_space<hbm>> -> memref<1000000x128xf32, #tpu.memory_space<hbm>>
    tpu.wait_indirect_dma semaphore(%arg12 : memref<!tpu.dma_semaphore, #tpu.memory_space<semaphore_mem>>) src(%dma_wait3A_129 : memref<1000000x128xf32, #tpu.memory_space<hbm>>) dst(%arg7 : memref<192x128xf32, #tpu.memory_space<vmem>>)
    %add3A_130 = arith.constant 1152 : i32
    %add3A_131 = arith.addi %mul3A_2, %add3A_130 : i32
    %dma_start3A_132 = arith.constant 0 : i32
    %dma_start3A_133 = tpu.memref_slice %arg4[%add3A_131, %dma_start3A_132] : memref<49152x128xf32, #tpu.memory_space<hbm>> -> memref<192x128xf32, #tpu.memory_space<hbm>>
    %dma_start3A_134 = arith.constant 0 : i32
    %dma_start3A_135 = tpu.memref_slice %arg4[%add3A_131, %dma_start3A_134] : memref<49152x128xf32, #tpu.memory_space<hbm>> -> memref<192x128xf32, #tpu.memory_space<hbm>>
    tpu.enqueue_dma source(%arg7 : memref<192x128xf32, #tpu.memory_space<vmem>>) target(%dma_start3A_135 : memref<192x128xf32, #tpu.memory_space<hbm>>) target_semaphore(%arg17 : memref<!tpu.dma_semaphore, #tpu.memory_space<semaphore_mem>>)
    %dma_wait3A_136 = arith.constant 1344 : i32
    %dma_wait3A_137 = tpu.memref_slice %arg5[%dma_wait3A_136] : memref<1536xi32, #tpu.memory_space<vmem>> -> memref<192xi32, #tpu.memory_space<vmem>>
    %dma_wait3A_138 = arith.constant 0 : i32
    %dma_wait3A_139 = arith.constant 0 : i32
    %dma_wait3A_140 = tpu.memref_slice %arg2[%dma_wait3A_138, %dma_wait3A_139] : memref<1000000x128xf32, #tpu.memory_space<hbm>> -> memref<1000000x128xf32, #tpu.memory_space<hbm>>
    tpu.wait_indirect_dma semaphore(%arg13 : memref<!tpu.dma_semaphore, #tpu.memory_space<semaphore_mem>>) src(%dma_wait3A_140 : memref<1000000x128xf32, #tpu.memory_space<hbm>>) dst(%arg8 : memref<192x128xf32, #tpu.memory_space<vmem>>)
    %add3A_141 = arith.constant 1344 : i32
    %add3A_142 = arith.addi %mul3A_2, %add3A_141 : i32
    %dma_start3A_143 = arith.constant 0 : i32
    %dma_start3A_144 = tpu.memref_slice %arg4[%add3A_142, %dma_start3A_143] : memref<49152x128xf32, #tpu.memory_space<hbm>> -> memref<192x128xf32, #tpu.memory_space<hbm>>
    %dma_start3A_145 = arith.constant 0 : i32
    %dma_start3A_146 = tpu.memref_slice %arg4[%add3A_142, %dma_start3A_145] : memref<49152x128xf32, #tpu.memory_space<hbm>> -> memref<192x128xf32, #tpu.memory_space<hbm>>
    tpu.enqueue_dma source(%arg8 : memref<192x128xf32, #tpu.memory_space<vmem>>) target(%dma_start3A_146 : memref<192x128xf32, #tpu.memory_space<hbm>>) target_semaphore(%arg18 : memref<!tpu.dma_semaphore, #tpu.memory_space<semaphore_mem>>)
    %add3A_147 = arith.constant 576 : i32
    %add3A_148 = arith.addi %mul3A_2, %add3A_147 : i32
    %dma_wait3A_149 = arith.constant 0 : i32
    %dma_wait3A_150 = tpu.memref_slice %arg4[%add3A_148, %dma_wait3A_149] : memref<49152x128xf32, #tpu.memory_space<hbm>> -> memref<192x128xf32, #tpu.memory_space<hbm>>
    %dma_wait3A_151 = arith.constant 0 : i32
    %dma_wait3A_152 = tpu.memref_slice %arg4[%add3A_148, %dma_wait3A_151] : memref<49152x128xf32, #tpu.memory_space<hbm>> -> memref<192x128xf32, #tpu.memory_space<hbm>>
    tpu.wait_dma2 semaphore(%arg19 : memref<!tpu.dma_semaphore, #tpu.memory_space<semaphore_mem>>) src(%arg9 : memref<192x128xf32, #tpu.memory_space<vmem>>) dst(%dma_wait3A_152 : memref<192x128xf32, #tpu.memory_space<hbm>>)
    %add3A_153 = arith.constant 768 : i32
    %add3A_154 = arith.addi %mul3A_2, %add3A_153 : i32
    %dma_wait3A_155 = arith.constant 0 : i32
    %dma_wait3A_156 = tpu.memref_slice %arg4[%add3A_154, %dma_wait3A_155] : memref<49152x128xf32, #tpu.memory_space<hbm>> -> memref<192x128xf32, #tpu.memory_space<hbm>>
    %dma_wait3A_157 = arith.constant 0 : i32
    %dma_wait3A_158 = tpu.memref_slice %arg4[%add3A_154, %dma_wait3A_157] : memref<49152x128xf32, #tpu.memory_space<hbm>> -> memref<192x128xf32, #tpu.memory_space<hbm>>
    tpu.wait_dma2 semaphore(%arg20 : memref<!tpu.dma_semaphore, #tpu.memory_space<semaphore_mem>>) src(%arg10 : memref<192x128xf32, #tpu.memory_space<vmem>>) dst(%dma_wait3A_158 : memref<192x128xf32, #tpu.memory_space<hbm>>)
    %add3A_159 = arith.constant 960 : i32
    %add3A_160 = arith.addi %mul3A_2, %add3A_159 : i32
    %dma_wait3A_161 = arith.constant 0 : i32
    %dma_wait3A_162 = tpu.memref_slice %arg4[%add3A_160, %dma_wait3A_161] : memref<49152x128xf32, #tpu.memory_space<hbm>> -> memref<192x128xf32, #tpu.memory_space<hbm>>
    %dma_wait3A_163 = arith.constant 0 : i32
    %dma_wait3A_164 = tpu.memref_slice %arg4[%add3A_160, %dma_wait3A_163] : memref<49152x128xf32, #tpu.memory_space<hbm>> -> memref<192x128xf32, #tpu.memory_space<hbm>>
    tpu.wait_dma2 semaphore(%arg16 : memref<!tpu.dma_semaphore, #tpu.memory_space<semaphore_mem>>) src(%arg6 : memref<192x128xf32, #tpu.memory_space<vmem>>) dst(%dma_wait3A_164 : memref<192x128xf32, #tpu.memory_space<hbm>>)
    %add3A_165 = arith.constant 1152 : i32
    %add3A_166 = arith.addi %mul3A_2, %add3A_165 : i32
    %dma_wait3A_167 = arith.constant 0 : i32
    %dma_wait3A_168 = tpu.memref_slice %arg4[%add3A_166, %dma_wait3A_167] : memref<49152x128xf32, #tpu.memory_space<hbm>> -> memref<192x128xf32, #tpu.memory_space<hbm>>
    %dma_wait3A_169 = arith.constant 0 : i32
    %dma_wait3A_170 = tpu.memref_slice %arg4[%add3A_166, %dma_wait3A_169] : memref<49152x128xf32, #tpu.memory_space<hbm>> -> memref<192x128xf32, #tpu.memory_space<hbm>>
    tpu.wait_dma2 semaphore(%arg17 : memref<!tpu.dma_semaphore, #tpu.memory_space<semaphore_mem>>) src(%arg7 : memref<192x128xf32, #tpu.memory_space<vmem>>) dst(%dma_wait3A_170 : memref<192x128xf32, #tpu.memory_space<hbm>>)
    %add3A_171 = arith.constant 1344 : i32
    %add3A_172 = arith.addi %mul3A_2, %add3A_171 : i32
    %dma_wait3A_173 = arith.constant 0 : i32
    %dma_wait3A_174 = tpu.memref_slice %arg4[%add3A_172, %dma_wait3A_173] : memref<49152x128xf32, #tpu.memory_space<hbm>> -> memref<192x128xf32, #tpu.memory_space<hbm>>
    %dma_wait3A_175 = arith.constant 0 : i32
    %dma_wait3A_176 = tpu.memref_slice %arg4[%add3A_172, %dma_wait3A_175] : memref<49152x128xf32, #tpu.memory_space<hbm>> -> memref<192x128xf32, #tpu.memory_space<hbm>>
    tpu.wait_dma2 semaphore(%arg18 : memref<!tpu.dma_semaphore, #tpu.memory_space<semaphore_mem>>) src(%arg8 : memref<192x128xf32, #tpu.memory_space<vmem>>) dst(%dma_wait3A_176 : memref<192x128xf32, #tpu.memory_space<hbm>>)
    return
  }
}

module attributes {stable_mosaic.version = 14 : i64} {
  func.func @_mlp_body(%arg0: i32, %arg1: memref<6x4096x128xf32, #tpu.memory_space<vmem>>, %arg2: memref<6x128x128xf32, #tpu.memory_space<vmem>>, %arg3: memref<1x128xf32, #tpu.memory_space<vmem>>, %arg4: memref<91x128xf32, #tpu.memory_space<vmem>>, %arg5: memref<91x1xf32, #tpu.memory_space<vmem>>, %arg6: memref<91x4096xf32, #tpu.memory_space<vmem>>) attributes {dimension_semantics = [#tpu.dimension_semantics<arbitrary>], iteration_bounds = array<i64: 2>, scalar_prefetch = 0 : i64, scratch_operands = 0 : i64, tpu.core_type = #tpu.core_type<tc>, window_params = [{transform_indices = @transform_0, window_bounds = array<i64: 6, 4096, 128>}, {pipeline_mode = #tpu.pipeline_mode<synchronous>, transform_indices = @transform_1, window_bounds = array<i64: 6, 128, 128>}, {pipeline_mode = #tpu.pipeline_mode<synchronous>, transform_indices = @transform_2, window_bounds = array<i64: 1, 128>}, {pipeline_mode = #tpu.pipeline_mode<synchronous>, transform_indices = @transform_3, window_bounds = array<i64: 91, 128>}, {pipeline_mode = #tpu.pipeline_mode<synchronous>, transform_indices = @transform_4, window_bounds = array<i64: 91, 1>}, {transform_indices = @transform_5, window_bounds = array<i64: 91, 4096>}]} {
    %get3A = arith.constant 0 : index
    %get3A_0 = arith.constant 0 : index
    %get3A_1 = vector.load %arg3[%get3A, %get3A_0] : memref<1x128xf32, #tpu.memory_space<vmem>>, vector<1x128xf32>
    %get3A_2 = arith.constant 0 : index
    %get3A_3 = arith.constant 0 : index
    %get3A_4 = arith.constant 0 : index
    %get3A_5 = vector.load %arg1[%get3A_2, %get3A_3, %get3A_4] : memref<6x4096x128xf32, #tpu.memory_space<vmem>>, vector<1x4096x128xf32>
    %get3A_6 = vector.shape_cast %get3A_5 : vector<1x4096x128xf32> to vector<4096x128xf32>
    %get3A_7 = arith.constant 0 : index
    %get3A_8 = arith.constant 0 : index
    %get3A_9 = arith.constant 0 : index
    %get3A_10 = vector.load %arg2[%get3A_7, %get3A_8, %get3A_9] : memref<6x128x128xf32, #tpu.memory_space<vmem>>, vector<1x128x128xf32>
    %get3A_11 = vector.shape_cast %get3A_10 : vector<1x128x128xf32> to vector<128x128xf32>
    %dot_general3A = arith.constant dense<0.000000e+00> : vector<4096x128xf32>
    %dot_general3A_12 = tpu.matmul %get3A_6, %get3A_11, %dot_general3A {dimension_numbers = #tpu.dot_dimension_numbers<[1], [0], [0], [1], [0, 0, 1, 1], [], []>, transpose_lhs_hint = false} : vector<4096x128xf32>, vector<128x128xf32>, vector<4096x128xf32> -> vector<4096x128xf32>
    %add3A = vector.broadcast %get3A_1 : vector<1x128xf32> to vector<4096x128xf32>
    %add3A_13 = arith.addf %add3A, %dot_general3A_12 : vector<4096x128xf32>
    %get3A_14 = arith.constant 1 : index
    %get3A_15 = arith.constant 0 : index
    %get3A_16 = arith.constant 0 : index
    %get3A_17 = vector.load %arg1[%get3A_14, %get3A_15, %get3A_16] : memref<6x4096x128xf32, #tpu.memory_space<vmem>>, vector<1x4096x128xf32>
    %get3A_18 = vector.shape_cast %get3A_17 : vector<1x4096x128xf32> to vector<4096x128xf32>
    %get3A_19 = arith.constant 1 : index
    %get3A_20 = arith.constant 0 : index
    %get3A_21 = arith.constant 0 : index
    %get3A_22 = vector.load %arg2[%get3A_19, %get3A_20, %get3A_21] : memref<6x128x128xf32, #tpu.memory_space<vmem>>, vector<1x128x128xf32>
    %get3A_23 = vector.shape_cast %get3A_22 : vector<1x128x128xf32> to vector<128x128xf32>
    %dot_general3A_24 = arith.constant dense<0.000000e+00> : vector<4096x128xf32>
    %dot_general3A_25 = tpu.matmul %get3A_18, %get3A_23, %dot_general3A_24 {dimension_numbers = #tpu.dot_dimension_numbers<[1], [0], [0], [1], [0, 0, 1, 1], [], []>, transpose_lhs_hint = false} : vector<4096x128xf32>, vector<128x128xf32>, vector<4096x128xf32> -> vector<4096x128xf32>
    %add3A_26 = arith.addf %add3A_13, %dot_general3A_25 : vector<4096x128xf32>
    %get3A_27 = arith.constant 2 : index
    %get3A_28 = arith.constant 0 : index
    %get3A_29 = arith.constant 0 : index
    %get3A_30 = vector.load %arg1[%get3A_27, %get3A_28, %get3A_29] : memref<6x4096x128xf32, #tpu.memory_space<vmem>>, vector<1x4096x128xf32>
    %get3A_31 = vector.shape_cast %get3A_30 : vector<1x4096x128xf32> to vector<4096x128xf32>
    %get3A_32 = arith.constant 2 : index
    %get3A_33 = arith.constant 0 : index
    %get3A_34 = arith.constant 0 : index
    %get3A_35 = vector.load %arg2[%get3A_32, %get3A_33, %get3A_34] : memref<6x128x128xf32, #tpu.memory_space<vmem>>, vector<1x128x128xf32>
    %get3A_36 = vector.shape_cast %get3A_35 : vector<1x128x128xf32> to vector<128x128xf32>
    %dot_general3A_37 = arith.constant dense<0.000000e+00> : vector<4096x128xf32>
    %dot_general3A_38 = tpu.matmul %get3A_31, %get3A_36, %dot_general3A_37 {dimension_numbers = #tpu.dot_dimension_numbers<[1], [0], [0], [1], [0, 0, 1, 1], [], []>, transpose_lhs_hint = false} : vector<4096x128xf32>, vector<128x128xf32>, vector<4096x128xf32> -> vector<4096x128xf32>
    %add3A_39 = arith.addf %add3A_26, %dot_general3A_38 : vector<4096x128xf32>
    %get3A_40 = arith.constant 3 : index
    %get3A_41 = arith.constant 0 : index
    %get3A_42 = arith.constant 0 : index
    %get3A_43 = vector.load %arg1[%get3A_40, %get3A_41, %get3A_42] : memref<6x4096x128xf32, #tpu.memory_space<vmem>>, vector<1x4096x128xf32>
    %get3A_44 = vector.shape_cast %get3A_43 : vector<1x4096x128xf32> to vector<4096x128xf32>
    %get3A_45 = arith.constant 3 : index
    %get3A_46 = arith.constant 0 : index
    %get3A_47 = arith.constant 0 : index
    %get3A_48 = vector.load %arg2[%get3A_45, %get3A_46, %get3A_47] : memref<6x128x128xf32, #tpu.memory_space<vmem>>, vector<1x128x128xf32>
    %get3A_49 = vector.shape_cast %get3A_48 : vector<1x128x128xf32> to vector<128x128xf32>
    %dot_general3A_50 = arith.constant dense<0.000000e+00> : vector<4096x128xf32>
    %dot_general3A_51 = tpu.matmul %get3A_44, %get3A_49, %dot_general3A_50 {dimension_numbers = #tpu.dot_dimension_numbers<[1], [0], [0], [1], [0, 0, 1, 1], [], []>, transpose_lhs_hint = false} : vector<4096x128xf32>, vector<128x128xf32>, vector<4096x128xf32> -> vector<4096x128xf32>
    %add3A_52 = arith.addf %add3A_39, %dot_general3A_51 : vector<4096x128xf32>
    %get3A_53 = arith.constant 4 : index
    %get3A_54 = arith.constant 0 : index
    %get3A_55 = arith.constant 0 : index
    %get3A_56 = vector.load %arg1[%get3A_53, %get3A_54, %get3A_55] : memref<6x4096x128xf32, #tpu.memory_space<vmem>>, vector<1x4096x128xf32>
    %get3A_57 = vector.shape_cast %get3A_56 : vector<1x4096x128xf32> to vector<4096x128xf32>
    %get3A_58 = arith.constant 4 : index
    %get3A_59 = arith.constant 0 : index
    %get3A_60 = arith.constant 0 : index
    %get3A_61 = vector.load %arg2[%get3A_58, %get3A_59, %get3A_60] : memref<6x128x128xf32, #tpu.memory_space<vmem>>, vector<1x128x128xf32>
    %get3A_62 = vector.shape_cast %get3A_61 : vector<1x128x128xf32> to vector<128x128xf32>
    %dot_general3A_63 = arith.constant dense<0.000000e+00> : vector<4096x128xf32>
    %dot_general3A_64 = tpu.matmul %get3A_57, %get3A_62, %dot_general3A_63 {dimension_numbers = #tpu.dot_dimension_numbers<[1], [0], [0], [1], [0, 0, 1, 1], [], []>, transpose_lhs_hint = false} : vector<4096x128xf32>, vector<128x128xf32>, vector<4096x128xf32> -> vector<4096x128xf32>
    %add3A_65 = arith.addf %add3A_52, %dot_general3A_64 : vector<4096x128xf32>
    %get3A_66 = arith.constant 5 : index
    %get3A_67 = arith.constant 0 : index
    %get3A_68 = arith.constant 0 : index
    %get3A_69 = vector.load %arg1[%get3A_66, %get3A_67, %get3A_68] : memref<6x4096x128xf32, #tpu.memory_space<vmem>>, vector<1x4096x128xf32>
    %get3A_70 = vector.shape_cast %get3A_69 : vector<1x4096x128xf32> to vector<4096x128xf32>
    %get3A_71 = arith.constant 5 : index
    %get3A_72 = arith.constant 0 : index
    %get3A_73 = arith.constant 0 : index
    %get3A_74 = vector.load %arg2[%get3A_71, %get3A_72, %get3A_73] : memref<6x128x128xf32, #tpu.memory_space<vmem>>, vector<1x128x128xf32>
    %get3A_75 = vector.shape_cast %get3A_74 : vector<1x128x128xf32> to vector<128x128xf32>
    %dot_general3A_76 = arith.constant dense<0.000000e+00> : vector<4096x128xf32>
    %dot_general3A_77 = tpu.matmul %get3A_70, %get3A_75, %dot_general3A_76 {dimension_numbers = #tpu.dot_dimension_numbers<[1], [0], [0], [1], [0, 0, 1, 1], [], []>, transpose_lhs_hint = false} : vector<4096x128xf32>, vector<128x128xf32>, vector<4096x128xf32> -> vector<4096x128xf32>
    %add3A_78 = arith.addf %add3A_65, %dot_general3A_77 : vector<4096x128xf32>
    %max3A = arith.constant 0.000000e+00 : f32
    %max3A_79 = vector.broadcast %max3A : f32 to vector<4096x128xf32>
    %max3A_80 = arith.maximumf %add3A_78, %max3A_79 : vector<4096x128xf32>
    %get3A_81 = arith.constant 0 : index
    %get3A_82 = arith.constant 0 : index
    %get3A_83 = vector.load %arg4[%get3A_81, %get3A_82] : memref<91x128xf32, #tpu.memory_space<vmem>>, vector<91x128xf32>
    %dot_general3A_84 = arith.constant dense<0.000000e+00> : vector<91x4096xf32>
    %dot_general3A_85 = tpu.matmul %get3A_83, %max3A_80, %dot_general3A_84 {dimension_numbers = #tpu.dot_dimension_numbers<[1], [1], [0], [0], [0, 0, 1, 0], [], []>, transpose_lhs_hint = false} : vector<91x128xf32>, vector<4096x128xf32>, vector<91x4096xf32> -> vector<91x4096xf32>
    %get3A_86 = arith.constant 0 : index
    %get3A_87 = arith.constant 0 : index
    %get3A_88 = vector.load %arg5[%get3A_86, %get3A_87] : memref<91x1xf32, #tpu.memory_space<vmem>>, vector<91x1xf32>
    %add3A_89 = vector.broadcast %get3A_88 : vector<91x1xf32> to vector<91x4096xf32>
    %add3A_90 = arith.addf %dot_general3A_85, %add3A_89 : vector<91x4096xf32>
    %swap3A = arith.constant 0 : index
    %swap3A_91 = arith.constant 0 : index
    %swap3A_92 = vector.load %arg6[%swap3A, %swap3A_91] : memref<91x4096xf32, #tpu.memory_space<vmem>>, vector<91x4096xf32>
    tpu.vector_store %arg6[%swap3A, %swap3A_91], %add3A_90 {strides = array<i32>} : memref<91x4096xf32, #tpu.memory_space<vmem>>, vector<91x4096xf32>,
    return
  }
  func.func @transform_0(%arg0: i32) -> (i32, i32, i32) {
    %c0_i32 = arith.constant 0 : i32
    %c0_i32_0 = arith.constant 0 : i32
    %c0_i32_1 = arith.constant 0 : i32
    return %c0_i32, %arg0, %c0_i32_0 : i32, i32, i32
  }
  func.func @transform_1(%arg0: i32) -> (i32, i32, i32) {
    %c0_i32 = arith.constant 0 : i32
    %c0_i32_0 = arith.constant 0 : i32
    %c0_i32_1 = arith.constant 0 : i32
    %c0_i32_2 = arith.constant 0 : i32
    return %c0_i32, %c0_i32_0, %c0_i32_1 : i32, i32, i32
  }
  func.func @transform_2(%arg0: i32) -> (i32, i32) {
    %c0_i32 = arith.constant 0 : i32
    %c0_i32_0 = arith.constant 0 : i32
    %c0_i32_1 = arith.constant 0 : i32
    return %c0_i32, %c0_i32_0 : i32, i32
  }
  func.func @transform_3(%arg0: i32) -> (i32, i32) {
    %c0_i32 = arith.constant 0 : i32
    %c0_i32_0 = arith.constant 0 : i32
    %c0_i32_1 = arith.constant 0 : i32
    return %c0_i32, %c0_i32_0 : i32, i32
  }
  func.func @transform_4(%arg0: i32) -> (i32, i32) {
    %c0_i32 = arith.constant 0 : i32
    %c0_i32_0 = arith.constant 0 : i32
    %c0_i32_1 = arith.constant 0 : i32
    return %c0_i32, %c0_i32_0 : i32, i32
  }
  func.func @transform_5(%arg0: i32) -> (i32, i32) {
    %add3A = arith.constant 0 : i32
    %add3A_0 = arith.addi %add3A, %arg0 : i32
    %c0_i32 = arith.constant 0 : i32
    %c0_i32_1 = arith.constant 0 : i32
    return %c0_i32, %add3A_0 : i32, i32
  }
}

module attributes {stable_mosaic.version = 14 : i64} {
  func.func @_mlp_body(%arg0: i32, %arg1: memref<6x4096x128xf32, #tpu.memory_space<vmem>>, %arg2: memref<6x128x128xf32, #tpu.memory_space<vmem>>, %arg3: memref<1x128xf32, #tpu.memory_space<vmem>>, %arg4: memref<91x128xf32, #tpu.memory_space<vmem>>, %arg5: memref<91x1xf32, #tpu.memory_space<vmem>>, %arg6: memref<91x16384xf32, #tpu.memory_space<any>>, %arg7: memref<91x4096xf32, #tpu.memory_space<vmem>>) attributes {dimension_semantics = [#tpu.dimension_semantics<arbitrary>], iteration_bounds = array<i64: 2>, scalar_prefetch = 0 : i64, scratch_operands = 0 : i64, tpu.core_type = #tpu.core_type<tc>, window_params = [{transform_indices = @transform_0, window_bounds = array<i64: 6, 4096, 128>}, {pipeline_mode = #tpu.pipeline_mode<synchronous>, transform_indices = @transform_1, window_bounds = array<i64: 6, 128, 128>}, {pipeline_mode = #tpu.pipeline_mode<synchronous>, transform_indices = @transform_2, window_bounds = array<i64: 1, 128>}, {pipeline_mode = #tpu.pipeline_mode<synchronous>, transform_indices = @transform_3, window_bounds = array<i64: 91, 128>}, {pipeline_mode = #tpu.pipeline_mode<synchronous>, transform_indices = @transform_4, window_bounds = array<i64: 91, 1>}, {}, {transform_indices = @transform_6, window_bounds = array<i64: 91, 4096>}]} {
    %get3A = arith.constant 0 : index
    %get3A_0 = arith.constant 0 : index
    %get3A_1 = vector.load %arg3[%get3A, %get3A_0] : memref<1x128xf32, #tpu.memory_space<vmem>>, vector<1x128xf32>
    %get3A_2 = arith.constant 0 : index
    %get3A_3 = arith.constant 0 : index
    %get3A_4 = arith.constant 0 : index
    %get3A_5 = vector.load %arg1[%get3A_2, %get3A_3, %get3A_4] : memref<6x4096x128xf32, #tpu.memory_space<vmem>>, vector<1x4096x128xf32>
    %get3A_6 = vector.shape_cast %get3A_5 : vector<1x4096x128xf32> to vector<4096x128xf32>
    %get3A_7 = arith.constant 0 : index
    %get3A_8 = arith.constant 0 : index
    %get3A_9 = arith.constant 0 : index
    %get3A_10 = vector.load %arg2[%get3A_7, %get3A_8, %get3A_9] : memref<6x128x128xf32, #tpu.memory_space<vmem>>, vector<1x128x128xf32>
    %get3A_11 = vector.shape_cast %get3A_10 : vector<1x128x128xf32> to vector<128x128xf32>
    %dot_general3A = arith.constant dense<0.000000e+00> : vector<4096x128xf32>
    %dot_general3A_12 = tpu.matmul %get3A_6, %get3A_11, %dot_general3A {dimension_numbers = #tpu.dot_dimension_numbers<[1], [0], [0], [1], [0, 0, 1, 1], [], []>, transpose_lhs_hint = false} : vector<4096x128xf32>, vector<128x128xf32>, vector<4096x128xf32> -> vector<4096x128xf32>
    %add3A = vector.broadcast %get3A_1 : vector<1x128xf32> to vector<4096x128xf32>
    %add3A_13 = arith.addf %add3A, %dot_general3A_12 : vector<4096x128xf32>
    %get3A_14 = arith.constant 1 : index
    %get3A_15 = arith.constant 0 : index
    %get3A_16 = arith.constant 0 : index
    %get3A_17 = vector.load %arg1[%get3A_14, %get3A_15, %get3A_16] : memref<6x4096x128xf32, #tpu.memory_space<vmem>>, vector<1x4096x128xf32>
    %get3A_18 = vector.shape_cast %get3A_17 : vector<1x4096x128xf32> to vector<4096x128xf32>
    %get3A_19 = arith.constant 1 : index
    %get3A_20 = arith.constant 0 : index
    %get3A_21 = arith.constant 0 : index
    %get3A_22 = vector.load %arg2[%get3A_19, %get3A_20, %get3A_21] : memref<6x128x128xf32, #tpu.memory_space<vmem>>, vector<1x128x128xf32>
    %get3A_23 = vector.shape_cast %get3A_22 : vector<1x128x128xf32> to vector<128x128xf32>
    %dot_general3A_24 = arith.constant dense<0.000000e+00> : vector<4096x128xf32>
    %dot_general3A_25 = tpu.matmul %get3A_18, %get3A_23, %dot_general3A_24 {dimension_numbers = #tpu.dot_dimension_numbers<[1], [0], [0], [1], [0, 0, 1, 1], [], []>, transpose_lhs_hint = false} : vector<4096x128xf32>, vector<128x128xf32>, vector<4096x128xf32> -> vector<4096x128xf32>
    %add3A_26 = arith.addf %add3A_13, %dot_general3A_25 : vector<4096x128xf32>
    %get3A_27 = arith.constant 2 : index
    %get3A_28 = arith.constant 0 : index
    %get3A_29 = arith.constant 0 : index
    %get3A_30 = vector.load %arg1[%get3A_27, %get3A_28, %get3A_29] : memref<6x4096x128xf32, #tpu.memory_space<vmem>>, vector<1x4096x128xf32>
    %get3A_31 = vector.shape_cast %get3A_30 : vector<1x4096x128xf32> to vector<4096x128xf32>
    %get3A_32 = arith.constant 2 : index
    %get3A_33 = arith.constant 0 : index
    %get3A_34 = arith.constant 0 : index
    %get3A_35 = vector.load %arg2[%get3A_32, %get3A_33, %get3A_34] : memref<6x128x128xf32, #tpu.memory_space<vmem>>, vector<1x128x128xf32>
    %get3A_36 = vector.shape_cast %get3A_35 : vector<1x128x128xf32> to vector<128x128xf32>
    %dot_general3A_37 = arith.constant dense<0.000000e+00> : vector<4096x128xf32>
    %dot_general3A_38 = tpu.matmul %get3A_31, %get3A_36, %dot_general3A_37 {dimension_numbers = #tpu.dot_dimension_numbers<[1], [0], [0], [1], [0, 0, 1, 1], [], []>, transpose_lhs_hint = false} : vector<4096x128xf32>, vector<128x128xf32>, vector<4096x128xf32> -> vector<4096x128xf32>
    %add3A_39 = arith.addf %add3A_26, %dot_general3A_38 : vector<4096x128xf32>
    %get3A_40 = arith.constant 3 : index
    %get3A_41 = arith.constant 0 : index
    %get3A_42 = arith.constant 0 : index
    %get3A_43 = vector.load %arg1[%get3A_40, %get3A_41, %get3A_42] : memref<6x4096x128xf32, #tpu.memory_space<vmem>>, vector<1x4096x128xf32>
    %get3A_44 = vector.shape_cast %get3A_43 : vector<1x4096x128xf32> to vector<4096x128xf32>
    %get3A_45 = arith.constant 3 : index
    %get3A_46 = arith.constant 0 : index
    %get3A_47 = arith.constant 0 : index
    %get3A_48 = vector.load %arg2[%get3A_45, %get3A_46, %get3A_47] : memref<6x128x128xf32, #tpu.memory_space<vmem>>, vector<1x128x128xf32>
    %get3A_49 = vector.shape_cast %get3A_48 : vector<1x128x128xf32> to vector<128x128xf32>
    %dot_general3A_50 = arith.constant dense<0.000000e+00> : vector<4096x128xf32>
    %dot_general3A_51 = tpu.matmul %get3A_44, %get3A_49, %dot_general3A_50 {dimension_numbers = #tpu.dot_dimension_numbers<[1], [0], [0], [1], [0, 0, 1, 1], [], []>, transpose_lhs_hint = false} : vector<4096x128xf32>, vector<128x128xf32>, vector<4096x128xf32> -> vector<4096x128xf32>
    %add3A_52 = arith.addf %add3A_39, %dot_general3A_51 : vector<4096x128xf32>
    %get3A_53 = arith.constant 4 : index
    %get3A_54 = arith.constant 0 : index
    %get3A_55 = arith.constant 0 : index
    %get3A_56 = vector.load %arg1[%get3A_53, %get3A_54, %get3A_55] : memref<6x4096x128xf32, #tpu.memory_space<vmem>>, vector<1x4096x128xf32>
    %get3A_57 = vector.shape_cast %get3A_56 : vector<1x4096x128xf32> to vector<4096x128xf32>
    %get3A_58 = arith.constant 4 : index
    %get3A_59 = arith.constant 0 : index
    %get3A_60 = arith.constant 0 : index
    %get3A_61 = vector.load %arg2[%get3A_58, %get3A_59, %get3A_60] : memref<6x128x128xf32, #tpu.memory_space<vmem>>, vector<1x128x128xf32>
    %get3A_62 = vector.shape_cast %get3A_61 : vector<1x128x128xf32> to vector<128x128xf32>
    %dot_general3A_63 = arith.constant dense<0.000000e+00> : vector<4096x128xf32>
    %dot_general3A_64 = tpu.matmul %get3A_57, %get3A_62, %dot_general3A_63 {dimension_numbers = #tpu.dot_dimension_numbers<[1], [0], [0], [1], [0, 0, 1, 1], [], []>, transpose_lhs_hint = false} : vector<4096x128xf32>, vector<128x128xf32>, vector<4096x128xf32> -> vector<4096x128xf32>
    %add3A_65 = arith.addf %add3A_52, %dot_general3A_64 : vector<4096x128xf32>
    %get3A_66 = arith.constant 5 : index
    %get3A_67 = arith.constant 0 : index
    %get3A_68 = arith.constant 0 : index
    %get3A_69 = vector.load %arg1[%get3A_66, %get3A_67, %get3A_68] : memref<6x4096x128xf32, #tpu.memory_space<vmem>>, vector<1x4096x128xf32>
    %get3A_70 = vector.shape_cast %get3A_69 : vector<1x4096x128xf32> to vector<4096x128xf32>
    %get3A_71 = arith.constant 5 : index
    %get3A_72 = arith.constant 0 : index
    %get3A_73 = arith.constant 0 : index
    %get3A_74 = vector.load %arg2[%get3A_71, %get3A_72, %get3A_73] : memref<6x128x128xf32, #tpu.memory_space<vmem>>, vector<1x128x128xf32>
    %get3A_75 = vector.shape_cast %get3A_74 : vector<1x128x128xf32> to vector<128x128xf32>
    %dot_general3A_76 = arith.constant dense<0.000000e+00> : vector<4096x128xf32>
    %dot_general3A_77 = tpu.matmul %get3A_70, %get3A_75, %dot_general3A_76 {dimension_numbers = #tpu.dot_dimension_numbers<[1], [0], [0], [1], [0, 0, 1, 1], [], []>, transpose_lhs_hint = false} : vector<4096x128xf32>, vector<128x128xf32>, vector<4096x128xf32> -> vector<4096x128xf32>
    %add3A_78 = arith.addf %add3A_65, %dot_general3A_77 : vector<4096x128xf32>
    %max3A = arith.constant 0.000000e+00 : f32
    %max3A_79 = vector.broadcast %max3A : f32 to vector<4096x128xf32>
    %max3A_80 = arith.maximumf %add3A_78, %max3A_79 : vector<4096x128xf32>
    %get3A_81 = arith.constant 0 : index
    %get3A_82 = arith.constant 0 : index
    %get3A_83 = vector.load %arg4[%get3A_81, %get3A_82] : memref<91x128xf32, #tpu.memory_space<vmem>>, vector<91x128xf32>
    %dot_general3A_84 = arith.constant dense<0.000000e+00> : vector<91x4096xf32>
    %dot_general3A_85 = tpu.matmul %get3A_83, %max3A_80, %dot_general3A_84 {dimension_numbers = #tpu.dot_dimension_numbers<[1], [1], [0], [0], [0, 0, 1, 0], [], []>, transpose_lhs_hint = false} : vector<91x128xf32>, vector<4096x128xf32>, vector<91x4096xf32> -> vector<91x4096xf32>
    %get3A_86 = arith.constant 0 : index
    %get3A_87 = arith.constant 0 : index
    %get3A_88 = vector.load %arg5[%get3A_86, %get3A_87] : memref<91x1xf32, #tpu.memory_space<vmem>>, vector<91x1xf32>
    %add3A_89 = vector.broadcast %get3A_88 : vector<91x1xf32> to vector<91x4096xf32>
    %add3A_90 = arith.addf %dot_general3A_85, %add3A_89 : vector<91x4096xf32>
    %swap3A = arith.constant 0 : index
    %swap3A_91 = arith.constant 0 : index
    %swap3A_92 = vector.load %arg7[%swap3A, %swap3A_91] : memref<91x4096xf32, #tpu.memory_space<vmem>>, vector<91x4096xf32>
    tpu.vector_store %arg7[%swap3A, %swap3A_91], %add3A_90 {strides = array<i32>} : memref<91x4096xf32, #tpu.memory_space<vmem>>, vector<91x4096xf32>,
    return
  }
  func.func @transform_0(%arg0: i32) -> (i32, i32, i32) {
    %c0_i32 = arith.constant 0 : i32
    %c0_i32_0 = arith.constant 0 : i32
    %c0_i32_1 = arith.constant 0 : i32
    return %c0_i32, %arg0, %c0_i32_0 : i32, i32, i32
  }
  func.func @transform_1(%arg0: i32) -> (i32, i32, i32) {
    %c0_i32 = arith.constant 0 : i32
    %c0_i32_0 = arith.constant 0 : i32
    %c0_i32_1 = arith.constant 0 : i32
    %c0_i32_2 = arith.constant 0 : i32
    return %c0_i32, %c0_i32_0, %c0_i32_1 : i32, i32, i32
  }
  func.func @transform_2(%arg0: i32) -> (i32, i32) {
    %c0_i32 = arith.constant 0 : i32
    %c0_i32_0 = arith.constant 0 : i32
    %c0_i32_1 = arith.constant 0 : i32
    return %c0_i32, %c0_i32_0 : i32, i32
  }
  func.func @transform_3(%arg0: i32) -> (i32, i32) {
    %c0_i32 = arith.constant 0 : i32
    %c0_i32_0 = arith.constant 0 : i32
    %c0_i32_1 = arith.constant 0 : i32
    return %c0_i32, %c0_i32_0 : i32, i32
  }
  func.func @transform_4(%arg0: i32) -> (i32, i32) {
    %c0_i32 = arith.constant 0 : i32
    %c0_i32_0 = arith.constant 0 : i32
    %c0_i32_1 = arith.constant 0 : i32
    return %c0_i32, %c0_i32_0 : i32, i32
  }
  func.func @transform_6(%arg0: i32) -> (i32, i32) {
    %add3A = arith.constant 2 : i32
    %add3A_0 = arith.addi %add3A, %arg0 : i32
    %c0_i32 = arith.constant 0 : i32
    %c0_i32_1 = arith.constant 0 : i32
    return %c0_i32, %add3A_0 : i32, i32
  }
}

</mosaic_0001>

<sc_bundles>
// kernel: kernel.6.cloned.1.call-start
scs
__scs_entry_jumppad:
0x0: {  	(pc) =	sbr.rel $0x88, $3  }
0x1: {  	(tag) =	ssettag $0x0;
	lr =	simm.s32 $0x1  }
0x2: {  	[smem:$0x3F9B] =	sst lr;
	_ =	strace $0xD0000000  }
0x3: {  	_ = 	snop  }
0x4: {  	_ = 	snop  }
0x5: {  	_ = 	snop  }
0x6: {  	_ = 	snop  }
0x7: {  	_ = 	snop  }
__scs_overlays_trampoline_lowered:
0x8: {  	[smem:$0x3FAA] =	sst s0  }
0x9: {  	[smem:$0x3FAB] =	sst s1  }
0xa: {  	[smem:$0x3FAC] =	sst s2  }
0xb: {  	[smem:$0x3FAD] =	sst s3  }
0xc: {  	[smem:$0x3FAE] =	sst s4  }
0xd: {  	[smem:$0x3FAF] =	sst s5  }
0xe: {  	[smem:$0x3FB0] =	sst s6  }
0xf: {  	[smem:$0x3FB1] =	sst s7  }
0x10: {  	[smem:$0x3FB2] =	sst s8  }
0x11: {  	[smem:$0x3FB3] =	sst s9;
	s0 =	simm.s32 @!p0 $0x0  }
0x12: {  	s1 =	sld [smem:$0x3F99];
	s0 =	simm.s32 @p0 $0x1  }
0x13: {  	[smem:$0x3FB4] =	sst s0;
	s0 =	simm.s32 @!p1 $0x0  }
0x14: {  	s2 =	sld [smem:$0x3F98];
	s0 =	simm.s32 @p1 $0x1  }
0x15: {  	[smem:$0x3FB5] =	sst s0;
	s0 =	simm.s32 @!p2 $0x0  }
0x16: {  	s3 =	sld [smem:$0x3FDB];
	s0 =	simm.s32 @p2 $0x1  }
0x17: {  	s4 =	simm.s32 $0x1BF5;
	[smem:$0x3FB7] =	sst s0  }
0x18: {  	s0 =	sld [smem:$0x3F9A];
	_ =	swait.ge [sflag:s4], $0x0  }
0x19: {  	s7 =	sld [smem:$0x3F9B]  }
0x1a: {  	s8 =	sadd.s32 $0xFFFFE003, lr  }
0x1b: {  	s9 =	sadd.s32 $0xFFFFFEF7, lr;
	s5 =	simm.s32 $0xFFFFFFFF;
	p2 =	slt.u32 s8, $0xFFFFF086  }
0x1c: {  	p1 =	slt.u32 s9, $0xF7A;
	s5 =	simm.s32 @!p2 $0x0  }
0x1d: {  	s5 =	simm.s32 @p1 $0x1;
	p0 =	seq.s32 s7, s2  }
0x1e: {  	s7 =	smul.u32 @!p0 $0xF7A, s2;
	p2 =	seq.s32 @!p0 s5, $0x0  }
0x1f: {  	s9 =	smul.u32 $0xF7A, s1;
	s8 =	simm.s32 @!p0 $0x1BF5;
	p2 =	por !p2, p0  }
0x20: {  	[sflag:s8] =	ssyncset.s32 @!p0 $0xFFFFF086;
	s6 =	sadd.s32 @!p0 s3, s7;
	s7 =	simm.s32 @!p0 $0x108  }
0x21: {  	s3 =	sadd.s32 s3, s9;
	s6 =	sadd.s32 @!p0 $0x88, s6;
	s7 =	simm.s32 @p2 $0x1082  }
0x22: {  	[simem:s7], [sflag:s8] =	dma.local @!p0 [hbm:s6], $0xF7A  }
0x23: {  	s9 =	sor.u32 $0xD0000000, s2;
	s6 =	simm.s32 $0x108;
	_ =	swait.ge @!p0 [sflag:s8], $0x0  }
0x24: {  	s3 =	sadd.s32 $0x88, s3;
	s6 =	simm.s32 @!p1 $0x1082;
	[sflag:s4] =	ssyncset.s32 $0xFFFFF086  }
0x25: {  	[simem:s6], [sflag:s4] =	dma.local [hbm:s3], $0xF7A  }
0x26: {  	[smem:$0x3F9B] =	sst s1;
	(tag) =	ssettag s2;
	_ =	strace s9  }
0x27: {  	s1 =	sld [smem:$0x3FAB]  }
0x28: {  	s2 =	sld [smem:$0x3FAC]  }
0x29: {  	s4 =	sld [smem:$0x3FAE]  }
0x2a: {  	p0 =	seq.s32 s5, $0x0;
	s5 =	sld [smem:$0x3FAF]  }
0x2b: {  	s6 =	sld [smem:$0x3FB0]  }
0x2c: {  	s7 =	sld [smem:$0x3FB1]  }
0x2d: {  	s3 =	simm.s32 $0x108;
	s8 =	sld [smem:$0x3FB2]  }
0x2e: {  	s3 =	simm.s32 @!p0 $0x1082;
	s9 =	sld [smem:$0x3FB3]  }
0x2f: {  	lr =	sadd.s32 s0, s3;
	s0 =	sld [smem:$0x3FAA]  }
0x30: {  	s3 =	sld [smem:$0x3FAD]  }
0x31: {  	[smem:$0x3FB6] =	sst s10  }
0x32: {  	s10 =	sld [smem:$0x3FB4];
	_ =	sdelay $0x3  }
0x33: {  	p0 =	seq.s32 s10, $0x1;
	s10 =	sld [smem:$0x3FB6];
	_ =	sdelay $0x3  }
0x34: {  	[smem:$0x3FB6] =	sst s10  }
0x35: {  	s10 =	sld [smem:$0x3FB5];
	_ =	sdelay $0x3  }
0x36: {  	p1 =	seq.s32 s10, $0x1;
	s10 =	sld [smem:$0x3FB6];
	_ =	sdelay $0x3  }
0x37: {  	[smem:$0x3FB6] =	sst s10  }
0x38: {  	s10 =	sld [smem:$0x3FB7]  }
0x39: {  	_ = 	snop;
	(pc) =	sbr.ind lr, $3  }
0x3a: {  	_ = 	snop  }
0x3b: {  	_ = 	snop  }
0x3c: {  	p2 =	seq.s32 s10, $0x1;
	s10 =	sld [smem:$0x3FB6]  }
0x3d: {  	_ =	shalt  }
0x3e: {  	_ =	shalt  }
0x3f: {  	_ =	shalt  }
0x40: {  	_ =	shalt  }
0x41: {  	_ =	shalt  }
0x42: {  	_ =	shalt  }
0x43: {  	_ =	shalt  }
0x44: {  	_ =	shalt  }
0x45: {  	_ =	shalt  }
0x46: {  	_ =	shalt  }
0x47: {  	_ =	shalt  }
0x48: {  	_ =	shalt  }
0x49: {  	_ =	shalt  }
0x4a: {  	_ =	shalt  }
0x4b: {  	_ =	shalt  }
0x4c: {  	_ =	shalt  }
0x4d: {  	_ =	shalt  }
0x4e: {  	_ =	shalt  }
0x4f: {  	_ =	shalt  }
0x50: {  	_ =	shalt  }
0x51: {  	_ =	shalt  }
0x52: {  	_ =	shalt  }
0x53: {  	_ =	shalt  }
0x54: {  	_ =	shalt  }
0x55: {  	_ =	shalt  }
0x56: {  	_ =	shalt  }
0x57: {  	_ =	shalt  }
0x58: {  	_ =	shalt  }
0x59: {  	_ =	shalt  }
0x5a: {  	_ =	shalt  }
0x5b: {  	_ =	shalt  }
0x5c: {  	_ =	shalt  }
0x5d: {  	_ =	shalt  }
0x5e: {  	_ =	shalt  }
0x5f: {  	_ =	shalt  }
0x60: {  	_ =	shalt  }
0x61: {  	_ =	shalt  }
0x62: {  	_ =	shalt  }
0x63: {  	_ =	shalt  }
0x64: {  	_ =	shalt  }
0x65: {  	_ =	shalt  }
0x66: {  	_ =	shalt  }
0x67: {  	_ =	shalt  }
0x68: {  	_ =	shalt  }
0x69: {  	_ =	shalt  }
0x6a: {  	_ =	shalt  }
0x6b: {  	_ =	shalt  }
0x6c: {  	_ =	shalt  }
0x6d: {  	_ =	shalt  }
0x6e: {  	_ =	shalt  }
0x6f: {  	_ =	shalt  }
0x70: {  	_ =	shalt  }
0x71: {  	_ =	shalt  }
0x72: {  	_ =	shalt  }
0x73: {  	_ =	shalt  }
0x74: {  	_ =	shalt  }
0x75: {  	_ =	shalt  }
0x76: {  	_ =	shalt  }
0x77: {  	_ =	shalt  }
0x78: {  	_ =	shalt  }
0x79: {  	_ =	shalt  }
0x7a: {  	_ =	shalt  }
0x7b: {  	_ =	shalt  }
0x7c: {  	_ =	shalt  }
0x7d: {  	_ =	shalt  }
0x7e: {  	_ =	shalt  }
0x7f: {  	_ =	shalt  }
0x80: {  	_ =	shalt  }
0x81: {  	_ =	shalt  }
0x82: {  	_ =	shalt  }
0x83: {  	_ =	shalt  }
0x84: {  	_ =	shalt  }
0x85: {  	_ =	shalt  }
0x86: {  	_ =	shalt  }
0x87: {  	_ =	shalt  }
.Lfunc_end0:
.L_simem_size_0:
called_computation_lowered:
.L_overlay_start_0:
0x88: {  	s2 =	sld [smem:$0x3FD9]  }
0x89: {  	s3 =	sld [smem:$0x3FFE];
	_ =	sdelay $0x1  }
0x8a: {  	s1 =	srdreg.scid  }
0x8b: {  	s0 =	sand.u32 $0x1, s1  }
0x8c: {  	s17 =	sshll.u32 s0, $0xA;
	s2 =	sadd.s32 s3, s2  }
0x8d: {  	s2 =	sadd.s32 s2, s17  }
0x8e: {  	[smem:$0x3FC2] =	sst s2  }
0x8f: {  	_ = 	snop  }
0x90: {  	s2 =	sld [smem:$0x3FC8];
	(tm) =	ssettm $0x1  }
0x91: {  	s18 =	sld [smem:$0x3FFB];
	_ =	sdelay $0x3  }
0x92: {  	_ =	strace s18  }
0x93: {  	s3 =	sld [smem:$0x3FFC];
	_ =	sdelay $0x3  }
0x94: {  	_ =	strace s3  }
0x95: {  	s3 =	sld [smem:$0x3FFD];
	_ =	sdelay $0x3  }
0x96: {  	_ =	strace s3  }
0x97: {  	_ =	strace $0x8FFFFFFF  }
0x98: {  	s19 =	sld [smem:$0x3FDB];
	_ =	sdelay $0x1  }
0x99: {  	s4 =	simm.s32 $_scs_section_size  }
0x9a: {  	s5 =	simm.s32 $_size__tile_overlayer_lowered;
	s6 =	simm.s32 $_tile_overlayer_lowered  }
0x9b: {  	s22 =	simm.s32 $0x1BFF;
	s21 =	sshll.u32 s6, $0x1;
	s3 =	sadd.s32 s4, s19  }
0x9c: {  	s7 =	simm.s32 $0x0;
	s20 =	sshll.u32 s5, $0x1;
	s5 =	sadd.s32 s21, s3  }
0x9d: {  	[timem:s7], [sflag:s22] =	dma.local [hbm:s5], s20  }
0x9e: {  	_ =	swait.ge [sflag:s22], s20  }
0x9f: {  	s4 =	ssub.s32 $0x0, s20;
	[sflag:s22] =	ssyncset.done $0x0  }
0xa0: {  	[sflag:s22] =	ssyncadd.s32 s4;
	_ =	sdelay $0x1  }
0xa1: {  	s23 =	simm.s32 $0x1B8B  }
0xa2: {  	_ =	swait.ge [sflag:s23], $0x1  }
0xa3: {  	[sflag:s23] =	ssyncset.done $0x0  }
0xa4: {  	s25 =	simm.s32 $0x1B8E;
	s24 =	sld [smem:$0x3FFE];
	[sflag:s23] =	ssyncadd.s32 $0xFFFFFFFF  }
0xa5: {  	s26 =	simm.s32 $execute0_lowered;
	[smem:$0x3FD2] =	sst s25  }
0xa6: {  	s5 =	sshll.u32 s26, $0x1;
	_ =	strace $0x80000046;
	[dreg:$0x1] =	wrdreg $0xFFFFFFFF  }
0xa7: {  	s28 =	simm.s32 $_size_execute0_lowered;
	s3 =	sadd.s32 s3, s5;
	[dreg:$0x0] =	wrdreg $0x0  }
0xa8: {  	s5 =	sshll.u32 s28, $0x1;
	[dreg:$0x2] =	wrdreg s3  }
0xa9: {  	[dreg:$0x3] =	wrdreg s5  }
0xaa: {  	[dreg:$0x4] =	wrdreg $0xC0  }
0xab: {  	_ =	task [dreg:s7], $0x5FFFF  }
0xac: {  	[dreg:$0x1] =	wrdreg $0xFFFFFFFF  }
0xad: {  	[dreg:$0x0] =	wrdreg $0x60  }
0xae: {  	[dreg:$0x2] =	wrdreg s2  }
0xaf: {  	[dreg:$0x3] =	wrdreg s24  }
0xb0: {  	[dreg:$0x4] =	wrdreg $0x9  }
0xb1: {  	_ =	task.clear_ibuf [dreg:s7], $0x5FFFF;
	_ =	strace $0x90000046  }
0xb2: {  	s29 =	simm.s32 $0x9;
	_ =	strace $0x80000048  }
0xb3: {  	_ =	swait.ge [sflag:s29], $0x1  }
0xb4: {  	[sflag:s29] =	ssyncadd.s32 $0xFFFFFFFF  }
0xb5: {  	_ =	strace $0x90000048  }
0xb6: {  	_ =	sfence  }
0xb7: {  	s30 =	sld [smem:$0x0];
	_ =	sdelay $0x2  }
0xb8: {  	s31 =	sshll.u32 s1, $0xD;
	s1 =	sshrl.u32 s1, $0x2  }
0xb9: {  	s3 =	sand.u32 $0x4000, s31;
	s1 =	sadd.s32 s1, s30  }
0xba: {  	s0 =	sor.u32 s3, s0;
	s1 =	sshll.u32 s1, $0x11  }
0xbb: {  	s0 =	sor.u32 s1, s0  }
0xbc: {  	s0 =	sadd.s32 $0x8F2B, s0  }
0xbd: {  	[sflag:s0] =	ssyncadd.remote.s32 $0x1  }
0xbe: {  	_ =	sfence.sel $0xFFFF  }
0xbf: {  	[dreg:$0x0] =	wrdreg $0xFFFFFFFF;
	(pc) =	sbr.abs _section_cstart, $3  }
0xc0: {  	[dreg:$0x1] =	wrdreg $0xFFFFFFFF  }
0xc1: {  	_ =	task.clear_ibuf [dreg:s7], $0x2FFFF;
	_ =	strace $0x9FFFFFFF  }
0xc2: {  	(tm) =	ssettm $0x7FFFFFFF  }
0xc3: {  	_ =	shalt  }
tec
execute0_lowered:
.L_overlay_start_1:
0x0: {  	(tag) =	ssettag $0x1  }
0x1: {  	s0 =	srdreg.scid  }
0x2: {  	s1 =	stileid.u32;
	s3 =	rddreg [dreg:$0x0]  }
0x3: {  	s4 =	rddreg [dreg:$0x1];
	s2 =	simm.s32 $0x0;
	s28 =	simm.s32 $0xB  }
0x4: {  	s16 =	simm.s32 $0xC0;
	s12 =	simm.s32 $0x600;
	s11 =	simm.s32 $0x6600  }
0x5: {  	s30 =	simm.s32 $0x180;
	s9 =	simm.s32 $0xC600;
	s31 =	simm.s32 $0x240  }
0x6: {  	s21 =	simm.s32 $0x12600;
	s15 =	simm.s32 $0x1;
	s29 =	simm.s32 $0x300  }
0x7: {  	s19 =	simm.s32 $0x18600;
	s14 =	simm.s32 $0x2;
	s13 =	simm.s32 $0x3  }
0x8: {  	s7 =	simm.s32 $0x7;
	s0 =	sand.u32 $0x1, s0;
	s1 =	sshll.u32 s1, $0x1  }
0x9: {  	p0 =	por $0x0, $0x0;
	s10 =	simm.s32 $0x8;
	s1 =	sor.u32 s0, s1  }
0xa: {  	s22 =	simm.s32 $0x5;
	s18 =	simm.s32 $0x9;
	s5 =	smul.u32 $0xC0, s1  }
0xb: {  	s17 =	simm.s32 $0xA;
	s0 =	ssub.s32 $0x2, s0;
	s6 =	smul.u32 $0x6000, s1  }
0xc: {  	[smem:$0x7FF] =	sst s2;
	s1 =	smul.u32 $0x30000, s1;
	s25 =	sshrl.u32 s0, $0x1  }
0xd: {  	_ =	strace $0x80000047;
	s0 =	ssub.s32 s0, s25;
	s25 =	simm.s32 $0x4  }
0xe: {  	s5 =	sadd.s32 s5, s4;
	s4 =	sadd.s32 $0x2C00, s4;
	s1 =	sshrl.u32 s1, $0x3  }
0xf: {  	s0 =	smax.u32 s0, $0x1;
	s5 =	sadd.s32 $0x1400, s5;
	s20 =	sadd.s32 s4, s6  }
0x10: {  	s1 =	sadd.s32 s4, s1;
	[dreg:$0x3] =	wrdreg s5;
	s23 =	sadd.s32 $0xC00, s20  }
0x11: {  	p1 =	sne.s32 s0, $0x1;
	s24 =	sadd.s32 $0x1800, s20;
	[dreg:$0x4] =	wrdreg s23  }
.Ltmp0:
0x12: {  	s4 =	sadd.s32 $0x2400, s1;
	[dreg:$0x5] =	wrdreg s24;
	(pc) =	sbr.rel @!p1 .LBB2_3-.Ltmp0, $4  }
0x13: {  	s6 =	simm.s32 $0x6;
	s26 =	sadd.s32 $0x3000, s1;
	[dreg:$0x6] =	wrdreg s4  }
0x14: {  	s8 =	sadd.s32 $0x3C00, s1;
	s5 =	sadd.s32 $0x4800, s1;
	[dreg:$0x7] =	wrdreg s26  }
0x15: {  	s4 =	sadd.s32 $0x5400, s1;
	s26 =	simm.s32 $0x3C0;
	s24 =	simm.s32 $0x480  }
0x16: {  	s1 =	sadd.s32 $0xFFFFFFFF, s0;
	s23 =	simm.s32 $0x540;
	s0 =	rddreg [dreg:$0x3]  }
0x17: {  	[tilespmem:s2], [sflag:$0xB] =	stream.linear.gather [hbm4b:s0+s2], $0x600, $0x38;
	[tilespmem:$0x1E600] =	vst v63  }
0x18: {  	_ =	swait.ge [sflag:s28], $0x600  }
0x19: {  	[sflag:s28] =	ssyncset.done $0x0  }
0x1a: {  	[sflag:s28] =	ssyncadd.s32 $0xFFFFFA00  }
0x1b: {  	[tilespmem:s12], [sflag:$0x1] =	stream.indirect.gather [hbm4b:s3+s16], $0x80, s2, s16, $0xb8;
	[tilespmem:$0x1E600] =	vst v63  }
0x1c: {  	_ = 	snop  }
0x1d: {  	[tilespmem:s11], [sflag:$0x2] =	stream.indirect.gather [hbm4b:s3+s16], $0x80, s16, s16, $0xb8;
	[tilespmem:$0x1E600] =	vst v63  }
0x1e: {  	_ = 	snop  }
0x1f: {  	[tilespmem:s9], [sflag:$0x3] =	stream.indirect.gather [hbm4b:s3+s16], $0x80, s30, s16, $0xb8;
	[tilespmem:$0x1E600] =	vst v63  }
0x20: {  	_ = 	snop  }
0x21: {  	[tilespmem:s21], [sflag:$0x4] =	stream.indirect.gather [hbm4b:s3+s16], $0x80, s31, s16, $0xb8;
	[tilespmem:$0x1E600] =	vst v63  }
0x22: {  	_ =	swait.ge [sflag:s15], $0x6000  }
0x23: {  	[sflag:s15] =	ssyncset.done $0x0  }
0x24: {  	[sflag:s15] =	ssyncadd.s32 $0xFFFFA000  }
0x25: {  	[hbm4b:s20+s2] =	stream.linear.scatter [tilespmem:s12], [sflag:$0x6], $0x6000, $0x38;
	[tilespmem:$0x1E600] =	vst v63  }
0x26: {  	_ = 	snop  }
0x27: {  	[tilespmem:s19], [sflag:$0x5] =	stream.indirect.gather [hbm4b:s3+s16], $0x80, s29, s16, $0xb8;
	[tilespmem:$0x1E600] =	vst v63  }
0x28: {  	_ =	swait.ge [sflag:s14], $0x6000  }
0x29: {  	[sflag:s14] =	ssyncset.done $0x0  }
0x2a: {  	s0 =	rddreg [dreg:$0x4];
	[sflag:s14] =	ssyncadd.s32 $0xFFFFA000  }
0x2b: {  	[hbm4b:s0+s2] =	stream.linear.scatter [tilespmem:s11], [sflag:$0x7], $0x6000, $0x38;
	[tilespmem:$0x1E600] =	vst v63  }
0x2c: {  	_ =	swait.ge [sflag:s6], $0x6000  }
0x2d: {  	[sflag:s6] =	ssyncset.done $0x0  }
0x2e: {  	[sflag:s6] =	ssyncadd.s32 $0xFFFFA000  }
0x2f: {  	[tilespmem:s12], [sflag:$0x1] =	stream.indirect.gather [hbm4b:s3+s16], $0x80, s26, s16, $0xb8;
	[tilespmem:$0x1E600] =	vst v63  }
0x30: {  	_ =	swait.ge [sflag:s13], $0x6000  }
0x31: {  	[sflag:s13] =	ssyncset.done $0x0  }
0x32: {  	s0 =	rddreg [dreg:$0x5];
	[sflag:s13] =	ssyncadd.s32 $0xFFFFA000  }
0x33: {  	[hbm4b:s0+s2] =	stream.linear.scatter [tilespmem:s9], [sflag:$0x8], $0x6000, $0x38;
	[tilespmem:$0x1E600] =	vst v63  }
0x34: {  	_ =	swait.ge [sflag:s7], $0x6000  }
0x35: {  	[sflag:s7] =	ssyncset.done $0x0  }
0x36: {  	[sflag:s7] =	ssyncadd.s32 $0xFFFFA000  }
0x37: {  	[tilespmem:s11], [sflag:$0x2] =	stream.indirect.gather [hbm4b:s3+s16], $0x80, s24, s16, $0xb8;
	[tilespmem:$0x1E600] =	vst v63  }
0x38: {  	_ =	swait.ge [sflag:s25], $0x6000  }
0x39: {  	[sflag:s25] =	ssyncset.done $0x0  }
0x3a: {  	s0 =	rddreg [dreg:$0x6];
	[sflag:s25] =	ssyncadd.s32 $0xFFFFA000  }
0x3b: {  	[hbm4b:s0+s2] =	stream.linear.scatter [tilespmem:s21], [sflag:$0x9], $0x6000, $0x38;
	[tilespmem:$0x1E600] =	vst v63  }
0x3c: {  	_ =	swait.ge [sflag:s10], $0x6000  }
0x3d: {  	[sflag:s10] =	ssyncset.done $0x0  }
0x3e: {  	[sflag:s10] =	ssyncadd.s32 $0xFFFFA000  }
0x3f: {  	[tilespmem:s9], [sflag:$0x3] =	stream.indirect.gather [hbm4b:s3+s16], $0x80, s23, s16, $0xb8;
	[tilespmem:$0x1E600] =	vst v63  }
0x40: {  	_ =	swait.ge [sflag:s22], $0x6000  }
0x41: {  	[sflag:s22] =	ssyncset.done $0x0  }
0x42: {  	s0 =	rddreg [dreg:$0x7];
	[sflag:s22] =	ssyncadd.s32 $0xFFFFA000  }
0x43: {  	[hbm4b:s0+s2] =	stream.linear.scatter [tilespmem:s19], [sflag:$0xA], $0x6000, $0x38;
	[tilespmem:$0x1E600] =	vst v63  }
0x44: {  	_ =	swait.ge [sflag:s15], $0x6000  }
0x45: {  	[sflag:s15] =	ssyncset.done $0x0  }
0x46: {  	[sflag:s15] =	ssyncadd.s32 $0xFFFFA000  }
0x47: {  	[hbm4b:s8+s2] =	stream.linear.scatter [tilespmem:s12], [sflag:$0x6], $0x6000, $0x38;
	[tilespmem:$0x1E600] =	vst v63  }
0x48: {  	_ =	swait.ge [sflag:s14], $0x6000  }
0x49: {  	[sflag:s14] =	ssyncset.done $0x0  }
0x4a: {  	[sflag:s14] =	ssyncadd.s32 $0xFFFFA000  }
0x4b: {  	[hbm4b:s5+s2] =	stream.linear.scatter [tilespmem:s11], [sflag:$0x7], $0x6000, $0x38;
	[tilespmem:$0x1E600] =	vst v63  }
0x4c: {  	_ =	swait.ge [sflag:s13], $0x6000  }
0x4d: {  	[sflag:s13] =	ssyncset.done $0x0  }
0x4e: {  	[sflag:s13] =	ssyncadd.s32 $0xFFFFA000  }
0x4f: {  	[hbm4b:s4+s2] =	stream.linear.scatter [tilespmem:s9], [sflag:$0x8], $0x6000, $0x38;
	[tilespmem:$0x1E600] =	vst v63  }
0x50: {  	_ =	swait.ge [sflag:s18], $0x6000  }
0x51: {  	[sflag:s18] =	ssyncset.done $0x0  }
0x52: {  	[sflag:s18] =	ssyncadd.s32 $0xFFFFA000  }
0x53: {  	_ =	swait.ge [sflag:s17], $0x6000  }
0x54: {  	[sflag:s17] =	ssyncset.done $0x0  }
0x55: {  	[sflag:s17] =	ssyncadd.s32 $0xFFFFA000  }
0x56: {  	_ =	swait.ge [sflag:s6], $0x6000  }
0x57: {  	[sflag:s6] =	ssyncset.done $0x0  }
0x58: {  	p1 =	sne.s32 s1, $0x1;
	[sflag:s6] =	ssyncadd.s32 $0xFFFFA000  }
.Ltmp1:
0x59: {  	_ =	swait.ge [sflag:s7], $0x6000;
	(pc) =	sbr.rel @!p1 .LBB2_3-.Ltmp1, $4  }
0x5a: {  	[sflag:s7] =	ssyncset.done $0x0  }
0x5b: {  	[sflag:s7] =	ssyncadd.s32 $0xFFFFA000  }
0x5c: {  	s1 =	sadd.s32 $0xFFFFFFFF, s1;
	_ =	swait.ge [sflag:s10], $0x6000  }
0x5d: {  	p0 =	por $0x1, $0x1;
	s0 =	rddreg [dreg:$0x3];
	[sflag:s10] =	ssyncset.done $0x0  }
.LBB2_2:
0x5e: {  	[sflag:s10] =	ssyncadd.s32 $0xFFFFA000  }
0x5f: {  	[tilespmem:s2], [sflag:$0xB] =	stream.linear.gather [hbm4b:s0+s2], $0x600, $0x38;
	[tilespmem:$0x1E600] =	vst v63  }
0x60: {  	_ =	swait.ge [sflag:s28], $0x600  }
0x61: {  	[sflag:s28] =	ssyncset.done $0x0  }
0x62: {  	[sflag:s28] =	ssyncadd.s32 $0xFFFFFA00  }
0x63: {  	[tilespmem:s12], [sflag:$0x1] =	stream.indirect.gather [hbm4b:s3+s16], $0x80, s2, s16, $0xb8;
	[tilespmem:$0x1E600] =	vst v63  }
0x64: {  	_ = 	snop  }
0x65: {  	[tilespmem:s11], [sflag:$0x2] =	stream.indirect.gather [hbm4b:s3+s16], $0x80, s16, s16, $0xb8;
	[tilespmem:$0x1E600] =	vst v63  }
0x66: {  	_ = 	snop  }
0x67: {  	[tilespmem:s9], [sflag:$0x3] =	stream.indirect.gather [hbm4b:s3+s16], $0x80, s30, s16, $0xb8;
	[tilespmem:$0x1E600] =	vst v63  }
0x68: {  	_ = 	snop  }
0x69: {  	[tilespmem:s21], [sflag:$0x4] =	stream.indirect.gather [hbm4b:s3+s16], $0x80, s31, s16, $0xb8;
	[tilespmem:$0x1E600] =	vst v63  }
0x6a: {  	_ =	swait.ge [sflag:s15], $0x6000  }
0x6b: {  	[sflag:s15] =	ssyncset.done $0x0  }
0x6c: {  	[sflag:s15] =	ssyncadd.s32 $0xFFFFA000  }
0x6d: {  	[hbm4b:s20+s2] =	stream.linear.scatter [tilespmem:s12], [sflag:$0x6], $0x6000, $0x38;
	[tilespmem:$0x1E600] =	vst v63  }
0x6e: {  	_ = 	snop  }
0x6f: {  	[tilespmem:s19], [sflag:$0x5] =	stream.indirect.gather [hbm4b:s3+s16], $0x80, s29, s16, $0xb8;
	[tilespmem:$0x1E600] =	vst v63  }
0x70: {  	_ =	swait.ge [sflag:s14], $0x6000  }
0x71: {  	[sflag:s14] =	ssyncset.done $0x0  }
0x72: {  	s0 =	rddreg [dreg:$0x4];
	[sflag:s14] =	ssyncadd.s32 $0xFFFFA000  }
0x73: {  	[hbm4b:s0+s2] =	stream.linear.scatter [tilespmem:s11], [sflag:$0x7], $0x6000, $0x38;
	[tilespmem:$0x1E600] =	vst v63  }
0x74: {  	_ =	swait.ge [sflag:s6], $0x6000  }
0x75: {  	[sflag:s6] =	ssyncset.done $0x0  }
0x76: {  	[sflag:s6] =	ssyncadd.s32 $0xFFFFA000  }
0x77: {  	[tilespmem:s12], [sflag:$0x1] =	stream.indirect.gather [hbm4b:s3+s16], $0x80, s26, s16, $0xb8;
	[tilespmem:$0x1E600] =	vst v63  }
0x78: {  	_ =	swait.ge [sflag:s13], $0x6000  }
0x79: {  	[sflag:s13] =	ssyncset.done $0x0  }
0x7a: {  	s0 =	rddreg [dreg:$0x5];
	[sflag:s13] =	ssyncadd.s32 $0xFFFFA000  }
0x7b: {  	[hbm4b:s0+s2] =	stream.linear.scatter [tilespmem:s9], [sflag:$0x8], $0x6000, $0x38;
	[tilespmem:$0x1E600] =	vst v63  }
0x7c: {  	_ =	swait.ge [sflag:s7], $0x6000  }
0x7d: {  	[sflag:s7] =	ssyncset.done $0x0  }
0x7e: {  	[sflag:s7] =	ssyncadd.s32 $0xFFFFA000  }
0x7f: {  	[tilespmem:s11], [sflag:$0x2] =	stream.indirect.gather [hbm4b:s3+s16], $0x80, s24, s16, $0xb8;
	[tilespmem:$0x1E600] =	vst v63  }
0x80: {  	_ =	swait.ge [sflag:s25], $0x6000  }
0x81: {  	[sflag:s25] =	ssyncset.done $0x0  }
0x82: {  	s0 =	rddreg [dreg:$0x6];
	[sflag:s25] =	ssyncadd.s32 $0xFFFFA000  }
0x83: {  	[hbm4b:s0+s2] =	stream.linear.scatter [tilespmem:s21], [sflag:$0x9], $0x6000, $0x38;
	[tilespmem:$0x1E600] =	vst v63  }
0x84: {  	_ =	swait.ge [sflag:s10], $0x6000  }
0x85: {  	[sflag:s10] =	ssyncset.done $0x0  }
0x86: {  	[sflag:s10] =	ssyncadd.s32 $0xFFFFA000  }
0x87: {  	[tilespmem:s9], [sflag:$0x3] =	stream.indirect.gather [hbm4b:s3+s16], $0x80, s23, s16, $0xb8;
	[tilespmem:$0x1E600] =	vst v63  }
0x88: {  	_ =	swait.ge [sflag:s22], $0x6000  }
0x89: {  	[sflag:s22] =	ssyncset.done $0x0  }
0x8a: {  	s0 =	rddreg [dreg:$0x7];
	[sflag:s22] =	ssyncadd.s32 $0xFFFFA000  }
0x8b: {  	[hbm4b:s0+s2] =	stream.linear.scatter [tilespmem:s19], [sflag:$0xA], $0x6000, $0x38;
	[tilespmem:$0x1E600] =	vst v63  }
0x8c: {  	_ =	swait.ge [sflag:s15], $0x6000  }
0x8d: {  	[sflag:s15] =	ssyncset.done $0x0  }
0x8e: {  	[sflag:s15] =	ssyncadd.s32 $0xFFFFA000  }
0x8f: {  	[hbm4b:s8+s2] =	stream.linear.scatter [tilespmem:s12], [sflag:$0x6], $0x6000, $0x38;
	[tilespmem:$0x1E600] =	vst v63  }
0x90: {  	_ =	swait.ge [sflag:s14], $0x6000  }
0x91: {  	[sflag:s14] =	ssyncset.done $0x0  }
0x92: {  	[sflag:s14] =	ssyncadd.s32 $0xFFFFA000  }
0x93: {  	[hbm4b:s5+s2] =	stream.linear.scatter [tilespmem:s11], [sflag:$0x7], $0x6000, $0x38;
	[tilespmem:$0x1E600] =	vst v63  }
0x94: {  	_ =	swait.ge [sflag:s13], $0x6000  }
0x95: {  	[sflag:s13] =	ssyncset.done $0x0  }
0x96: {  	[sflag:s13] =	ssyncadd.s32 $0xFFFFA000  }
0x97: {  	[hbm4b:s4+s2] =	stream.linear.scatter [tilespmem:s9], [sflag:$0x8], $0x6000, $0x38;
	[tilespmem:$0x1E600] =	vst v63  }
0x98: {  	_ =	swait.ge [sflag:s18], $0x6000  }
0x99: {  	[sflag:s18] =	ssyncset.done $0x0  }
0x9a: {  	[sflag:s18] =	ssyncadd.s32 $0xFFFFA000  }
0x9b: {  	_ =	swait.ge [sflag:s17], $0x6000  }
0x9c: {  	[sflag:s17] =	ssyncset.done $0x0  }
0x9d: {  	[sflag:s17] =	ssyncadd.s32 $0xFFFFA000  }
0x9e: {  	_ =	swait.ge [sflag:s6], $0x6000  }
0x9f: {  	[sflag:s6] =	ssyncset.done $0x0  }
0xa0: {  	p1 =	sne.s32 s1, $0x1;
	[sflag:s6] =	ssyncadd.s32 $0xFFFFA000  }
.Ltmp2:
0xa1: {  	_ =	swait.ge [sflag:s7], $0x6000;
	(pc) =	sbr.rel @p1 .LBB2_2-.Ltmp2, $4  }
0xa2: {  	[sflag:s7] =	ssyncset.done $0x0  }
0xa3: {  	[sflag:s7] =	ssyncadd.s32 $0xFFFFA000  }
0xa4: {  	_ =	swait.ge [sflag:s10], $0x6000  }
0xa5: {  	s1 =	sadd.s32 $0xFFFFFFFF, s1;
	s0 =	rddreg [dreg:$0x3];
	[sflag:s10] =	ssyncset.done $0x0  }
.LBB2_3:
0xa6: {  	[sflag:s10] =	ssyncadd.s32 @p0 $0xFFFFA000  }
0xa7: {  	[tilespmem:s2], [sflag:$0xB] =	stream.linear.gather [hbm4b:s0+s2], $0x600, $0x38;
	[tilespmem:$0x1E600] =	vst v63  }
0xa8: {  	_ =	swait.ge [sflag:s28], $0x600  }
0xa9: {  	[sflag:s28] =	ssyncset.done $0x0  }
0xaa: {  	[sflag:s28] =	ssyncadd.s32 $0xFFFFFA00  }
0xab: {  	[tilespmem:s12], [sflag:$0x1] =	stream.indirect.gather [hbm4b:s3+s16], $0x80, s2, s16, $0xb8;
	[tilespmem:$0x1E600] =	vst v63  }
0xac: {  	_ = 	snop  }
0xad: {  	[tilespmem:s11], [sflag:$0x2] =	stream.indirect.gather [hbm4b:s3+s16], $0x80, s16, s16, $0xb8;
	[tilespmem:$0x1E600] =	vst v63  }
0xae: {  	_ = 	snop  }
0xaf: {  	[tilespmem:s9], [sflag:$0x3] =	stream.indirect.gather [hbm4b:s3+s16], $0x80, s30, s16, $0xb8;
	[tilespmem:$0x1E600] =	vst v63  }
0xb0: {  	_ = 	snop  }
0xb1: {  	[tilespmem:s21], [sflag:$0x4] =	stream.indirect.gather [hbm4b:s3+s16], $0x80, s31, s16, $0xb8;
	[tilespmem:$0x1E600] =	vst v63  }
0xb2: {  	_ =	swait.ge [sflag:s15], $0x6000  }
0xb3: {  	[sflag:s15] =	ssyncset.done $0x0  }
0xb4: {  	[sflag:s15] =	ssyncadd.s32 $0xFFFFA000  }
0xb5: {  	[hbm4b:s20+s2] =	stream.linear.scatter [tilespmem:s12], [sflag:$0x6], $0x6000, $0x38;
	[tilespmem:$0x1E600] =	vst v63  }
0xb6: {  	_ = 	snop  }
0xb7: {  	[tilespmem:s19], [sflag:$0x5] =	stream.indirect.gather [hbm4b:s3+s16], $0x80, s29, s16, $0xb8;
	[tilespmem:$0x1E600] =	vst v63  }
0xb8: {  	_ =	swait.ge [sflag:s14], $0x6000  }
0xb9: {  	[sflag:s14] =	ssyncset.done $0x0  }
0xba: {  	s20 =	rddreg [dreg:$0x4];
	[sflag:s14] =	ssyncadd.s32 $0xFFFFA000  }
0xbb: {  	[hbm4b:s20+s2] =	stream.linear.scatter [tilespmem:s11], [sflag:$0x7], $0x6000, $0x38;
	[tilespmem:$0x1E600] =	vst v63  }
0xbc: {  	_ =	swait.ge [sflag:s6], $0x6000  }
0xbd: {  	[sflag:s6] =	ssyncset.done $0x0  }
0xbe: {  	[sflag:s6] =	ssyncadd.s32 $0xFFFFA000  }
0xbf: {  	[tilespmem:s12], [sflag:$0x1] =	stream.indirect.gather [hbm4b:s3+s16], $0x80, s26, s16, $0xb8;
	[tilespmem:$0x1E600] =	vst v63  }
0xc0: {  	_ =	swait.ge [sflag:s13], $0x6000  }
0xc1: {  	[sflag:s13] =	ssyncset.done $0x0  }
0xc2: {  	s28 =	rddreg [dreg:$0x5];
	[sflag:s13] =	ssyncadd.s32 $0xFFFFA000  }
0xc3: {  	[hbm4b:s28+s2] =	stream.linear.scatter [tilespmem:s9], [sflag:$0x8], $0x6000, $0x38;
	[tilespmem:$0x1E600] =	vst v63  }
0xc4: {  	_ =	swait.ge [sflag:s7], $0x6000  }
0xc5: {  	[sflag:s7] =	ssyncset.done $0x0  }
0xc6: {  	[sflag:s7] =	ssyncadd.s32 $0xFFFFA000  }
0xc7: {  	[tilespmem:s11], [sflag:$0x2] =	stream.indirect.gather [hbm4b:s3+s16], $0x80, s24, s16, $0xb8;
	[tilespmem:$0x1E600] =	vst v63  }
0xc8: {  	_ =	swait.ge [sflag:s25], $0x6000  }
0xc9: {  	[sflag:s25] =	ssyncset.done $0x0  }
0xca: {  	s29 =	rddreg [dreg:$0x6];
	[sflag:s25] =	ssyncadd.s32 $0xFFFFA000  }
0xcb: {  	[hbm4b:s29+s2] =	stream.linear.scatter [tilespmem:s21], [sflag:$0x9], $0x6000, $0x38;
	[tilespmem:$0x1E600] =	vst v63  }
0xcc: {  	_ =	swait.ge [sflag:s10], $0x6000  }
0xcd: {  	[sflag:s10] =	ssyncset.done $0x0  }
0xce: {  	[sflag:s10] =	ssyncadd.s32 $0xFFFFA000  }
0xcf: {  	[tilespmem:s9], [sflag:$0x3] =	stream.indirect.gather [hbm4b:s3+s16], $0x80, s23, s16, $0xb8;
	[tilespmem:$0x1E600] =	vst v63  }
0xd0: {  	_ =	swait.ge [sflag:s22], $0x6000  }
0xd1: {  	[sflag:s22] =	ssyncset.done $0x0  }
0xd2: {  	s30 =	rddreg [dreg:$0x7];
	[sflag:s22] =	ssyncadd.s32 $0xFFFFA000  }
0xd3: {  	[hbm4b:s30+s2] =	stream.linear.scatter [tilespmem:s19], [sflag:$0xA], $0x6000, $0x38;
	[tilespmem:$0x1E600] =	vst v63  }
0xd4: {  	_ =	swait.ge [sflag:s15], $0x6000  }
0xd5: {  	[sflag:s15] =	ssyncset.done $0x0  }
0xd6: {  	[sflag:s15] =	ssyncadd.s32 $0xFFFFA000  }
0xd7: {  	[hbm4b:s8+s2] =	stream.linear.scatter [tilespmem:s12], [sflag:$0x6], $0x6000, $0x38;
	[tilespmem:$0x1E600] =	vst v63  }
0xd8: {  	_ =	swait.ge [sflag:s14], $0x6000  }
0xd9: {  	[sflag:s14] =	ssyncset.done $0x0  }
0xda: {  	[sflag:s14] =	ssyncadd.s32 $0xFFFFA000  }
0xdb: {  	[hbm4b:s5+s2] =	stream.linear.scatter [tilespmem:s11], [sflag:$0x7], $0x6000, $0x38;
	[tilespmem:$0x1E600] =	vst v63  }
0xdc: {  	_ =	swait.ge [sflag:s13], $0x6000  }
0xdd: {  	[sflag:s13] =	ssyncset.done $0x0  }
0xde: {  	[sflag:s13] =	ssyncadd.s32 $0xFFFFA000  }
0xdf: {  	[hbm4b:s4+s2] =	stream.linear.scatter [tilespmem:s9], [sflag:$0x8], $0x6000, $0x38;
	[tilespmem:$0x1E600] =	vst v63  }
0xe0: {  	_ =	swait.ge [sflag:s18], $0x6000  }
0xe1: {  	[sflag:s18] =	ssyncset.done $0x0  }
0xe2: {  	[sflag:s18] =	ssyncadd.s32 $0xFFFFA000  }
0xe3: {  	_ =	swait.ge [sflag:s17], $0x6000  }
0xe4: {  	[sflag:s17] =	ssyncset.done $0x0  }
0xe5: {  	[sflag:s17] =	ssyncadd.s32 $0xFFFFA000  }
0xe6: {  	_ =	swait.ge [sflag:s6], $0x6000  }
0xe7: {  	[sflag:s6] =	ssyncset.done $0x0  }
0xe8: {  	[sflag:s6] =	ssyncadd.s32 $0xFFFFA000  }
0xe9: {  	_ =	swait.ge [sflag:s7], $0x6000  }
0xea: {  	[sflag:s7] =	ssyncset.done $0x0  }
0xeb: {  	[sflag:s7] =	ssyncadd.s32 $0xFFFFA000  }
0xec: {  	_ =	swait.ge [sflag:s10], $0x6000  }
0xed: {  	[sflag:s10] =	ssyncset.done $0x0  }
0xee: {  	[sflag:s10] =	ssyncadd.s32 $0xFFFFA000  }
0xef: {  	_ =	sfence.sel $0x180000  }
0xf0: {  	[bflag:$0x0] =	sbarrier.arrive $0xFFFF  }
0xf1: {  	_ =	strace $0x90000047  }
0xf2: {  	s31 =	stileid.u32;
	[bflag:$0x2] =	sbarrier.arrive $0xFFFF  }
0xf3: {  	p0 =	sne.s32 s31, $0x0;
	s0 =	rddreg [dreg:$0x2]  }
0xf4: {  	s0 =	sadd.s32 @!p0 $0x100000, s0  }
0xf5: {  	[sflag:s0] =	ssyncadd.tile.s32 @!p0 $0x1;
	_ =	shalt  }
.Lfunc_end2:
_tile_overlayer_lowered:
.L_overlay_start_2:
0xf6: {  	(tag) =	ssettag $0x2  }
0xf7: {  	s0 =	rddreg [dreg:$0x0];
	s2 =	stileid.u32  }
0xf8: {  	s1 =	rddreg [dreg:$0x1];
	p0 =	sne.s32 s2, $0x0  }
0xf9: {  	s3 =	rddreg [dreg:$0x2];
	[bflag:$0x3] =	sbarrier.arrive $0xFFFF;
	s2 =	simm.s32 @!p0 $0x1C0B  }
0xfa: {  	[timem:s3], [sflag:s2] =	dma.local @!p0 [hbm:s0], s1  }
0xfb: {  	s0 =	simm.s32 @!p0 $0xB  }
0xfc: {  	_ =	swait.ge @!p0 [sflag:s0], s1  }
0xfd: {  	s1 =	ssub.s32 @!p0 $0x0, s1;
	[sflag:s0] =	ssyncset.done @!p0 $0x0  }
0xfe: {  	[sflag:s0] =	ssyncadd.s32 @!p0 s1  }
0xff: {  	[bflag:$0x3] =	sbarrier.arrive $0xFFFF  }
0x100: {  	_ =	shalt  }

// kernel: kernel.9.cloned.1.call-start
scs
__scs_entry_jumppad:
0x0: {  	(pc) =	sbr.rel $0x88, $3  }
0x1: {  	(tag) =	ssettag $0x0;
	lr =	simm.s32 $0x1  }
0x2: {  	[smem:$0x3F9B] =	sst lr;
	_ =	strace $0xD0000000  }
0x3: {  	_ = 	snop  }
0x4: {  	_ = 	snop  }
0x5: {  	_ = 	snop  }
0x6: {  	_ = 	snop  }
0x7: {  	_ = 	snop  }
__scs_overlays_trampoline_lowered:
0x8: {  	[smem:$0x3FAA] =	sst s0  }
0x9: {  	[smem:$0x3FAB] =	sst s1  }
0xa: {  	[smem:$0x3FAC] =	sst s2  }
0xb: {  	[smem:$0x3FAD] =	sst s3  }
0xc: {  	[smem:$0x3FAE] =	sst s4  }
0xd: {  	[smem:$0x3FAF] =	sst s5  }
0xe: {  	[smem:$0x3FB0] =	sst s6  }
0xf: {  	[smem:$0x3FB1] =	sst s7  }
0x10: {  	[smem:$0x3FB2] =	sst s8  }
0x11: {  	[smem:$0x3FB3] =	sst s9;
	s0 =	simm.s32 @!p0 $0x0  }
0x12: {  	s1 =	sld [smem:$0x3F99];
	s0 =	simm.s32 @p0 $0x1  }
0x13: {  	[smem:$0x3FB4] =	sst s0;
	s0 =	simm.s32 @!p1 $0x0  }
0x14: {  	s2 =	sld [smem:$0x3F98];
	s0 =	simm.s32 @p1 $0x1  }
0x15: {  	[smem:$0x3FB5] =	sst s0;
	s0 =	simm.s32 @!p2 $0x0  }
0x16: {  	s3 =	sld [smem:$0x3FDB];
	s0 =	simm.s32 @p2 $0x1  }
0x17: {  	s4 =	simm.s32 $0x1BF5;
	[smem:$0x3FB7] =	sst s0  }
0x18: {  	s0 =	sld [smem:$0x3F9A];
	_ =	swait.ge [sflag:s4], $0x0  }
0x19: {  	s7 =	sld [smem:$0x3F9B]  }
0x1a: {  	s8 =	sadd.s32 $0xFFFFE003, lr  }
0x1b: {  	s9 =	sadd.s32 $0xFFFFFEF7, lr;
	s5 =	simm.s32 $0xFFFFFFFF;
	p2 =	slt.u32 s8, $0xFFFFF086  }
0x1c: {  	p1 =	slt.u32 s9, $0xF7A;
	s5 =	simm.s32 @!p2 $0x0  }
0x1d: {  	s5 =	simm.s32 @p1 $0x1;
	p0 =	seq.s32 s7, s2  }
0x1e: {  	s7 =	smul.u32 @!p0 $0xF7A, s2;
	p2 =	seq.s32 @!p0 s5, $0x0  }
0x1f: {  	s9 =	smul.u32 $0xF7A, s1;
	s8 =	simm.s32 @!p0 $0x1BF5;
	p2 =	por !p2, p0  }
0x20: {  	[sflag:s8] =	ssyncset.s32 @!p0 $0xFFFFF086;
	s6 =	sadd.s32 @!p0 s3, s7;
	s7 =	simm.s32 @!p0 $0x108  }
0x21: {  	s3 =	sadd.s32 s3, s9;
	s6 =	sadd.s32 @!p0 $0x88, s6;
	s7 =	simm.s32 @p2 $0x1082  }
0x22: {  	[simem:s7], [sflag:s8] =	dma.local @!p0 [hbm:s6], $0xF7A  }
0x23: {  	s9 =	sor.u32 $0xD0000000, s2;
	s6 =	simm.s32 $0x108;
	_ =	swait.ge @!p0 [sflag:s8], $0x0  }
0x24: {  	s3 =	sadd.s32 $0x88, s3;
	s6 =	simm.s32 @!p1 $0x1082;
	[sflag:s4] =	ssyncset.s32 $0xFFFFF086  }
0x25: {  	[simem:s6], [sflag:s4] =	dma.local [hbm:s3], $0xF7A  }
0x26: {  	[smem:$0x3F9B] =	sst s1;
	(tag) =	ssettag s2;
	_ =	strace s9  }
0x27: {  	s1 =	sld [smem:$0x3FAB]  }
0x28: {  	s2 =	sld [smem:$0x3FAC]  }
0x29: {  	s4 =	sld [smem:$0x3FAE]  }
0x2a: {  	p0 =	seq.s32 s5, $0x0;
	s5 =	sld [smem:$0x3FAF]  }
0x2b: {  	s6 =	sld [smem:$0x3FB0]  }
0x2c: {  	s7 =	sld [smem:$0x3FB1]  }
0x2d: {  	s3 =	simm.s32 $0x108;
	s8 =	sld [smem:$0x3FB2]  }
0x2e: {  	s3 =	simm.s32 @!p0 $0x1082;
	s9 =	sld [smem:$0x3FB3]  }
0x2f: {  	lr =	sadd.s32 s0, s3;
	s0 =	sld [smem:$0x3FAA]  }
0x30: {  	s3 =	sld [smem:$0x3FAD]  }
0x31: {  	[smem:$0x3FB6] =	sst s10  }
0x32: {  	s10 =	sld [smem:$0x3FB4];
	_ =	sdelay $0x3  }
0x33: {  	p0 =	seq.s32 s10, $0x1;
	s10 =	sld [smem:$0x3FB6];
	_ =	sdelay $0x3  }
0x34: {  	[smem:$0x3FB6] =	sst s10  }
0x35: {  	s10 =	sld [smem:$0x3FB5];
	_ =	sdelay $0x3  }
0x36: {  	p1 =	seq.s32 s10, $0x1;
	s10 =	sld [smem:$0x3FB6];
	_ =	sdelay $0x3  }
0x37: {  	[smem:$0x3FB6] =	sst s10  }
0x38: {  	s10 =	sld [smem:$0x3FB7]  }
0x39: {  	_ = 	snop;
	(pc) =	sbr.ind lr, $3  }
0x3a: {  	_ = 	snop  }
0x3b: {  	_ = 	snop  }
0x3c: {  	p2 =	seq.s32 s10, $0x1;
	s10 =	sld [smem:$0x3FB6]  }
0x3d: {  	_ =	shalt  }
0x3e: {  	_ =	shalt  }
0x3f: {  	_ =	shalt  }
0x40: {  	_ =	shalt  }
0x41: {  	_ =	shalt  }
0x42: {  	_ =	shalt  }
0x43: {  	_ =	shalt  }
0x44: {  	_ =	shalt  }
0x45: {  	_ =	shalt  }
0x46: {  	_ =	shalt  }
0x47: {  	_ =	shalt  }
0x48: {  	_ =	shalt  }
0x49: {  	_ =	shalt  }
0x4a: {  	_ =	shalt  }
0x4b: {  	_ =	shalt  }
0x4c: {  	_ =	shalt  }
0x4d: {  	_ =	shalt  }
0x4e: {  	_ =	shalt  }
0x4f: {  	_ =	shalt  }
0x50: {  	_ =	shalt  }
0x51: {  	_ =	shalt  }
0x52: {  	_ =	shalt  }
0x53: {  	_ =	shalt  }
0x54: {  	_ =	shalt  }
0x55: {  	_ =	shalt  }
0x56: {  	_ =	shalt  }
0x57: {  	_ =	shalt  }
0x58: {  	_ =	shalt  }
0x59: {  	_ =	shalt  }
0x5a: {  	_ =	shalt  }
0x5b: {  	_ =	shalt  }
0x5c: {  	_ =	shalt  }
0x5d: {  	_ =	shalt  }
0x5e: {  	_ =	shalt  }
0x5f: {  	_ =	shalt  }
0x60: {  	_ =	shalt  }
0x61: {  	_ =	shalt  }
0x62: {  	_ =	shalt  }
0x63: {  	_ =	shalt  }
0x64: {  	_ =	shalt  }
0x65: {  	_ =	shalt  }
0x66: {  	_ =	shalt  }
0x67: {  	_ =	shalt  }
0x68: {  	_ =	shalt  }
0x69: {  	_ =	shalt  }
0x6a: {  	_ =	shalt  }
0x6b: {  	_ =	shalt  }
0x6c: {  	_ =	shalt  }
0x6d: {  	_ =	shalt  }
0x6e: {  	_ =	shalt  }
0x6f: {  	_ =	shalt  }
0x70: {  	_ =	shalt  }
0x71: {  	_ =	shalt  }
0x72: {  	_ =	shalt  }
0x73: {  	_ =	shalt  }
0x74: {  	_ =	shalt  }
0x75: {  	_ =	shalt  }
0x76: {  	_ =	shalt  }
0x77: {  	_ =	shalt  }
0x78: {  	_ =	shalt  }
0x79: {  	_ =	shalt  }
0x7a: {  	_ =	shalt  }
0x7b: {  	_ =	shalt  }
0x7c: {  	_ =	shalt  }
0x7d: {  	_ =	shalt  }
0x7e: {  	_ =	shalt  }
0x7f: {  	_ =	shalt  }
0x80: {  	_ =	shalt  }
0x81: {  	_ =	shalt  }
0x82: {  	_ =	shalt  }
0x83: {  	_ =	shalt  }
0x84: {  	_ =	shalt  }
0x85: {  	_ =	shalt  }
0x86: {  	_ =	shalt  }
0x87: {  	_ =	shalt  }
.Lfunc_end0:
.L_simem_size_0:
called_computation.1_lowered:
.L_overlay_start_0:
0x88: {  	s2 =	sld [smem:$0x3FD9]  }
0x89: {  	s3 =	sld [smem:$0x3FFE];
	_ =	sdelay $0x1  }
0x8a: {  	s1 =	srdreg.scid  }
0x8b: {  	s0 =	sand.u32 $0x1, s1  }
0x8c: {  	s17 =	sshll.u32 s0, $0xA;
	s2 =	sadd.s32 s3, s2  }
0x8d: {  	s2 =	sadd.s32 s2, s17  }
0x8e: {  	[smem:$0x3FC2] =	sst s2  }
0x8f: {  	_ = 	snop  }
0x90: {  	s18 =	sld [smem:$0x3FC8];
	(tm) =	ssettm $0x1  }
0x91: {  	s19 =	sld [smem:$0x3FFB];
	_ =	sdelay $0x3  }
0x92: {  	_ =	strace s19  }
0x93: {  	s2 =	sld [smem:$0x3FFC];
	_ =	sdelay $0x3  }
0x94: {  	_ =	strace s2  }
0x95: {  	s2 =	sld [smem:$0x3FFD];
	_ =	sdelay $0x3  }
0x96: {  	_ =	strace s2  }
0x97: {  	_ =	strace $0x8FFFFFFF  }
0x98: {  	s20 =	sld [smem:$0x3FDB];
	_ =	sdelay $0x1  }
0x99: {  	s4 =	simm.s32 $_scs_section_size  }
0x9a: {  	s5 =	simm.s32 $_size__tile_overlayer_lowered;
	s6 =	simm.s32 $_tile_overlayer_lowered  }
0x9b: {  	s7 =	simm.s32 $0x1BFF;
	s21 =	sshll.u32 s6, $0x1;
	s4 =	sadd.s32 s4, s20  }
0x9c: {  	s22 =	simm.s32 $0x0;
	s5 =	sshll.u32 s5, $0x1;
	s6 =	sadd.s32 s21, s4  }
0x9d: {  	[timem:s22], [sflag:s7] =	dma.local [hbm:s6], s5  }
0x9e: {  	_ =	swait.ge [sflag:s7], s5  }
0x9f: {  	s5 =	ssub.s32 $0x0, s5;
	[sflag:s7] =	ssyncset.done $0x0  }
0xa0: {  	[sflag:s7] =	ssyncadd.s32 s5;
	_ =	sdelay $0x1  }
0xa1: {  	s23 =	simm.s32 $0x1B8B  }
0xa2: {  	_ =	swait.ge [sflag:s23], $0x1  }
0xa3: {  	[sflag:s23] =	ssyncset.done $0x0  }
0xa4: {  	[sflag:s23] =	ssyncadd.s32 $0xFFFFFFFF  }
0xa5: {  	s5 =	sld [smem:$0x0]  }
0xa6: {  	s6 =	sand.u32 $0xFFFFFFFE, s1  }
0xa7: {  	p0 =	sne.s32 s1, s6  }
0xa8: {  	s6 =	sshll.u32 @p0 s6, $0xE  }
0xa9: {  	s6 =	sadd.s32 @p0 $0x11B8D, s6;
	s7 =	sshll.u32 @p0 s5, $0x11  }
0xaa: {  	s6 =	sor.u32 @p0 s7, s6  }
0xab: {  	[sflag:s6] =	ssyncadd.remote.s32 @p0 $0x1;
	_ =	sdelay $0x1  }
0xac: {  	s6 =	simm.s32 @p0 $0x1B8D  }
0xad: {  	_ =	swait.eq @p0 [sflag:s6], $0x1  }
0xae: {  	[sflag:s6] =	ssyncadd.s32 @p0 $0xFFFFFFFF  }
0xaf: {  	s7 =	sshll.u32 @!p0 s1, $0xE  }
0xb0: {  	s7 =	sor.u32 @!p0 $0x4000, s7;
	s6 =	simm.s32 @!p0 $0x1B8D  }
0xb1: {  	s5 =	sshll.u32 @!p0 s5, $0x11;
	s7 =	sadd.s32 @!p0 $0x11B8D, s7;
	_ =	swait.eq @!p0 [sflag:s6], $0x1  }
0xb2: {  	s5 =	sor.u32 @!p0 s5, s7;
	[sflag:s6] =	ssyncadd.s32 @!p0 $0xFFFFFFFF  }
0xb3: {  	s25 =	simm.s32 $0x1B8E;
	s24 =	sld [smem:$0x3FFE];
	[sflag:s5] =	ssyncadd.remote.s32 @!p0 $0x1  }
0xb4: {  	s26 =	simm.s32 $execute0_lowered;
	[smem:$0x3FD2] =	sst s25  }
0xb5: {  	s6 =	sshll.u32 s26, $0x1;
	_ =	strace $0x80000049;
	[dreg:$0x1] =	wrdreg $0xFFFFFFFF  }
0xb6: {  	s28 =	simm.s32 $_size_execute0_lowered;
	s4 =	sadd.s32 s4, s6;
	[dreg:$0x0] =	wrdreg $0x0  }
0xb7: {  	s6 =	sshll.u32 s28, $0x1;
	[dreg:$0x2] =	wrdreg s4  }
0xb8: {  	[dreg:$0x3] =	wrdreg s6  }
0xb9: {  	[dreg:$0x4] =	wrdreg $0xC0  }
0xba: {  	_ =	task [dreg:s22], $0x5FFFF  }
0xbb: {  	[dreg:$0x1] =	wrdreg $0xFFFFFFFF  }
0xbc: {  	[dreg:$0x0] =	wrdreg $0x60  }
0xbd: {  	[dreg:$0x2] =	wrdreg s18  }
0xbe: {  	[dreg:$0x3] =	wrdreg s24  }
0xbf: {  	[dreg:$0x4] =	wrdreg $0xA  }
0xc0: {  	_ =	task.clear_ibuf [dreg:s22], $0x5FFFF;
	_ =	strace $0x90000049  }
0xc1: {  	s29 =	simm.s32 $0xA;
	_ =	strace $0x8000004B  }
0xc2: {  	_ =	swait.ge [sflag:s29], $0x1  }
0xc3: {  	[sflag:s29] =	ssyncadd.s32 $0xFFFFFFFF  }
0xc4: {  	_ =	strace $0x9000004B  }
0xc5: {  	_ =	sfence  }
0xc6: {  	s30 =	sld [smem:$0x0];
	_ =	sdelay $0x2  }
0xc7: {  	s31 =	sshll.u32 s1, $0xD;
	s1 =	sshrl.u32 s1, $0x2  }
0xc8: {  	s4 =	sand.u32 $0x4000, s31;
	s1 =	sadd.s32 s1, s30  }
0xc9: {  	s0 =	sor.u32 s4, s0;
	s1 =	sshll.u32 s1, $0x11  }
0xca: {  	s0 =	sor.u32 s1, s0  }
0xcb: {  	s0 =	sadd.s32 $0x8F2B, s0  }
0xcc: {  	[sflag:s0] =	ssyncadd.remote.s32 $0x1  }
0xcd: {  	_ =	sfence.sel $0xFFFF  }
0xce: {  	[dreg:$0x0] =	wrdreg $0xFFFFFFFF;
	(pc) =	sbr.abs _section_cstart, $3  }
0xcf: {  	[dreg:$0x1] =	wrdreg $0xFFFFFFFF  }
0xd0: {  	_ =	task.clear_ibuf [dreg:s22], $0x2FFFF;
	_ =	strace $0x9FFFFFFF  }
0xd1: {  	(tm) =	ssettm $0x7FFFFFFF  }
tec
execute0_lowered:
.L_overlay_start_1:
0x0: {  	(tag) =	ssettag $0x1  }
0x1: {  	s0 =	srdreg.scid  }
0x2: {  	s1 =	stileid.u32;
	s3 =	rddreg [dreg:$0x0]  }
0x3: {  	s4 =	rddreg [dreg:$0x1];
	s2 =	simm.s32 $0x0;
	s28 =	simm.s32 $0xB  }
0x4: {  	s16 =	simm.s32 $0xC0;
	s12 =	simm.s32 $0x600;
	s11 =	simm.s32 $0x6600  }
0x5: {  	s30 =	simm.s32 $0x180;
	s9 =	simm.s32 $0xC600;
	s31 =	simm.s32 $0x240  }
0x6: {  	s21 =	simm.s32 $0x12600;
	s15 =	simm.s32 $0x1;
	s29 =	simm.s32 $0x300  }
0x7: {  	s19 =	simm.s32 $0x18600;
	s14 =	simm.s32 $0x2;
	s13 =	simm.s32 $0x3  }
0x8: {  	s7 =	simm.s32 $0x7;
	s0 =	sand.u32 $0x1, s0;
	s1 =	sshll.u32 s1, $0x1  }
0x9: {  	p0 =	por $0x0, $0x0;
	s10 =	simm.s32 $0x8;
	s1 =	sor.u32 s0, s1  }
0xa: {  	s22 =	simm.s32 $0x5;
	s18 =	simm.s32 $0x9;
	s5 =	smul.u32 $0xC0, s1  }
0xb: {  	s17 =	simm.s32 $0xA;
	s0 =	ssub.s32 $0x2, s0;
	s6 =	smul.u32 $0x6000, s1  }
0xc: {  	[smem:$0x7FF] =	sst s2;
	s1 =	smul.u32 $0x30000, s1;
	s25 =	sshrl.u32 s0, $0x1  }
0xd: {  	_ =	strace $0x8000004A;
	s0 =	ssub.s32 s0, s25;
	s25 =	simm.s32 $0x4  }
0xe: {  	s5 =	sadd.s32 s5, s4;
	s4 =	sadd.s32 $0xC4400, s4;
	s1 =	sshrl.u32 s1, $0x3  }
0xf: {  	s0 =	smax.u32 s0, $0x1;
	s5 =	sadd.s32 $0xC2C00, s5;
	s20 =	sadd.s32 s4, s6  }
0x10: {  	s1 =	sadd.s32 s4, s1;
	[dreg:$0x3] =	wrdreg s5;
	s23 =	sadd.s32 $0xC00, s20  }
0x11: {  	p1 =	sne.s32 s0, $0x1;
	s24 =	sadd.s32 $0x1800, s20;
	[dreg:$0x4] =	wrdreg s23  }
.Ltmp0:
0x12: {  	s4 =	sadd.s32 $0x2400, s1;
	[dreg:$0x5] =	wrdreg s24;
	(pc) =	sbr.rel @!p1 .LBB2_3-.Ltmp0, $4  }
0x13: {  	s6 =	simm.s32 $0x6;
	s26 =	sadd.s32 $0x3000, s1;
	[dreg:$0x6] =	wrdreg s4  }
0x14: {  	s8 =	sadd.s32 $0x3C00, s1;
	s5 =	sadd.s32 $0x4800, s1;
	[dreg:$0x7] =	wrdreg s26  }
0x15: {  	s4 =	sadd.s32 $0x5400, s1;
	s26 =	simm.s32 $0x3C0;
	s24 =	simm.s32 $0x480  }
0x16: {  	s1 =	sadd.s32 $0xFFFFFFFF, s0;
	s23 =	simm.s32 $0x540;
	s0 =	rddreg [dreg:$0x3]  }
0x17: {  	[tilespmem:s2], [sflag:$0xB] =	stream.linear.gather [hbm4b:s0+s2], $0x600, $0x38;
	[tilespmem:$0x1E600] =	vst v63  }
0x18: {  	_ =	swait.ge [sflag:s28], $0x600  }
0x19: {  	[sflag:s28] =	ssyncset.done $0x0  }
0x1a: {  	[sflag:s28] =	ssyncadd.s32 $0xFFFFFA00  }
0x1b: {  	[tilespmem:s12], [sflag:$0x1] =	stream.indirect.gather [hbm4b:s3+s16], $0x80, s2, s16, $0xb8;
	[tilespmem:$0x1E600] =	vst v63  }
0x1c: {  	_ = 	snop  }
0x1d: {  	[tilespmem:s11], [sflag:$0x2] =	stream.indirect.gather [hbm4b:s3+s16], $0x80, s16, s16, $0xb8;
	[tilespmem:$0x1E600] =	vst v63  }
0x1e: {  	_ = 	snop  }
0x1f: {  	[tilespmem:s9], [sflag:$0x3] =	stream.indirect.gather [hbm4b:s3+s16], $0x80, s30, s16, $0xb8;
	[tilespmem:$0x1E600] =	vst v63  }
0x20: {  	_ = 	snop  }
0x21: {  	[tilespmem:s21], [sflag:$0x4] =	stream.indirect.gather [hbm4b:s3+s16], $0x80, s31, s16, $0xb8;
	[tilespmem:$0x1E600] =	vst v63  }
0x22: {  	_ =	swait.ge [sflag:s15], $0x6000  }
0x23: {  	[sflag:s15] =	ssyncset.done $0x0  }
0x24: {  	[sflag:s15] =	ssyncadd.s32 $0xFFFFA000  }
0x25: {  	[hbm4b:s20+s2] =	stream.linear.scatter [tilespmem:s12], [sflag:$0x6], $0x6000, $0x38;
	[tilespmem:$0x1E600] =	vst v63  }
0x26: {  	_ = 	snop  }
0x27: {  	[tilespmem:s19], [sflag:$0x5] =	stream.indirect.gather [hbm4b:s3+s16], $0x80, s29, s16, $0xb8;
	[tilespmem:$0x1E600] =	vst v63  }
0x28: {  	_ =	swait.ge [sflag:s14], $0x6000  }
0x29: {  	[sflag:s14] =	ssyncset.done $0x0  }
0x2a: {  	s0 =	rddreg [dreg:$0x4];
	[sflag:s14] =	ssyncadd.s32 $0xFFFFA000  }
0x2b: {  	[hbm4b:s0+s2] =	stream.linear.scatter [tilespmem:s11], [sflag:$0x7], $0x6000, $0x38;
	[tilespmem:$0x1E600] =	vst v63  }
0x2c: {  	_ =	swait.ge [sflag:s6], $0x6000  }
0x2d: {  	[sflag:s6] =	ssyncset.done $0x0  }
0x2e: {  	[sflag:s6] =	ssyncadd.s32 $0xFFFFA000  }
0x2f: {  	[tilespmem:s12], [sflag:$0x1] =	stream.indirect.gather [hbm4b:s3+s16], $0x80, s26, s16, $0xb8;
	[tilespmem:$0x1E600] =	vst v63  }
0x30: {  	_ =	swait.ge [sflag:s13], $0x6000  }
0x31: {  	[sflag:s13] =	ssyncset.done $0x0  }
0x32: {  	s0 =	rddreg [dreg:$0x5];
	[sflag:s13] =	ssyncadd.s32 $0xFFFFA000  }
0x33: {  	[hbm4b:s0+s2] =	stream.linear.scatter [tilespmem:s9], [sflag:$0x8], $0x6000, $0x38;
	[tilespmem:$0x1E600] =	vst v63  }
0x34: {  	_ =	swait.ge [sflag:s7], $0x6000  }
0x35: {  	[sflag:s7] =	ssyncset.done $0x0  }
0x36: {  	[sflag:s7] =	ssyncadd.s32 $0xFFFFA000  }
0x37: {  	[tilespmem:s11], [sflag:$0x2] =	stream.indirect.gather [hbm4b:s3+s16], $0x80, s24, s16, $0xb8;
	[tilespmem:$0x1E600] =	vst v63  }
0x38: {  	_ =	swait.ge [sflag:s25], $0x6000  }
0x39: {  	[sflag:s25] =	ssyncset.done $0x0  }
0x3a: {  	s0 =	rddreg [dreg:$0x6];
	[sflag:s25] =	ssyncadd.s32 $0xFFFFA000  }
0x3b: {  	[hbm4b:s0+s2] =	stream.linear.scatter [tilespmem:s21], [sflag:$0x9], $0x6000, $0x38;
	[tilespmem:$0x1E600] =	vst v63  }
0x3c: {  	_ =	swait.ge [sflag:s10], $0x6000  }
0x3d: {  	[sflag:s10] =	ssyncset.done $0x0  }
0x3e: {  	[sflag:s10] =	ssyncadd.s32 $0xFFFFA000  }
0x3f: {  	[tilespmem:s9], [sflag:$0x3] =	stream.indirect.gather [hbm4b:s3+s16], $0x80, s23, s16, $0xb8;
	[tilespmem:$0x1E600] =	vst v63  }
0x40: {  	_ =	swait.ge [sflag:s22], $0x6000  }
0x41: {  	[sflag:s22] =	ssyncset.done $0x0  }
0x42: {  	s0 =	rddreg [dreg:$0x7];
	[sflag:s22] =	ssyncadd.s32 $0xFFFFA000  }
0x43: {  	[hbm4b:s0+s2] =	stream.linear.scatter [tilespmem:s19], [sflag:$0xA], $0x6000, $0x38;
	[tilespmem:$0x1E600] =	vst v63  }
0x44: {  	_ =	swait.ge [sflag:s15], $0x6000  }
0x45: {  	[sflag:s15] =	ssyncset.done $0x0  }
0x46: {  	[sflag:s15] =	ssyncadd.s32 $0xFFFFA000  }
0x47: {  	[hbm4b:s8+s2] =	stream.linear.scatter [tilespmem:s12], [sflag:$0x6], $0x6000, $0x38;
	[tilespmem:$0x1E600] =	vst v63  }
0x48: {  	_ =	swait.ge [sflag:s14], $0x6000  }
0x49: {  	[sflag:s14] =	ssyncset.done $0x0  }
0x4a: {  	[sflag:s14] =	ssyncadd.s32 $0xFFFFA000  }
0x4b: {  	[hbm4b:s5+s2] =	stream.linear.scatter [tilespmem:s11], [sflag:$0x7], $0x6000, $0x38;
	[tilespmem:$0x1E600] =	vst v63  }
0x4c: {  	_ =	swait.ge [sflag:s13], $0x6000  }
0x4d: {  	[sflag:s13] =	ssyncset.done $0x0  }
0x4e: {  	[sflag:s13] =	ssyncadd.s32 $0xFFFFA000  }
0x4f: {  	[hbm4b:s4+s2] =	stream.linear.scatter [tilespmem:s9], [sflag:$0x8], $0x6000, $0x38;
	[tilespmem:$0x1E600] =	vst v63  }
0x50: {  	_ =	swait.ge [sflag:s18], $0x6000  }
0x51: {  	[sflag:s18] =	ssyncset.done $0x0  }
0x52: {  	[sflag:s18] =	ssyncadd.s32 $0xFFFFA000  }
0x53: {  	_ =	swait.ge [sflag:s17], $0x6000  }
0x54: {  	[sflag:s17] =	ssyncset.done $0x0  }
0x55: {  	[sflag:s17] =	ssyncadd.s32 $0xFFFFA000  }
0x56: {  	_ =	swait.ge [sflag:s6], $0x6000  }
0x57: {  	[sflag:s6] =	ssyncset.done $0x0  }
0x58: {  	p1 =	sne.s32 s1, $0x1;
	[sflag:s6] =	ssyncadd.s32 $0xFFFFA000  }
.Ltmp1:
0x59: {  	_ =	swait.ge [sflag:s7], $0x6000;
	(pc) =	sbr.rel @!p1 .LBB2_3-.Ltmp1, $4  }
0x5a: {  	[sflag:s7] =	ssyncset.done $0x0  }
0x5b: {  	[sflag:s7] =	ssyncadd.s32 $0xFFFFA000  }
0x5c: {  	s1 =	sadd.s32 $0xFFFFFFFF, s1;
	_ =	swait.ge [sflag:s10], $0x6000  }
0x5d: {  	p0 =	por $0x1, $0x1;
	s0 =	rddreg [dreg:$0x3];
	[sflag:s10] =	ssyncset.done $0x0  }
.LBB2_2:
0x5e: {  	[sflag:s10] =	ssyncadd.s32 $0xFFFFA000  }
0x5f: {  	[tilespmem:s2], [sflag:$0xB] =	stream.linear.gather [hbm4b:s0+s2], $0x600, $0x38;
	[tilespmem:$0x1E600] =	vst v63  }
0x60: {  	_ =	swait.ge [sflag:s28], $0x600  }
0x61: {  	[sflag:s28] =	ssyncset.done $0x0  }
0x62: {  	[sflag:s28] =	ssyncadd.s32 $0xFFFFFA00  }
0x63: {  	[tilespmem:s12], [sflag:$0x1] =	stream.indirect.gather [hbm4b:s3+s16], $0x80, s2, s16, $0xb8;
	[tilespmem:$0x1E600] =	vst v63  }
0x64: {  	_ = 	snop  }
0x65: {  	[tilespmem:s11], [sflag:$0x2] =	stream.indirect.gather [hbm4b:s3+s16], $0x80, s16, s16, $0xb8;
	[tilespmem:$0x1E600] =	vst v63  }
0x66: {  	_ = 	snop  }
0x67: {  	[tilespmem:s9], [sflag:$0x3] =	stream.indirect.gather [hbm4b:s3+s16], $0x80, s30, s16, $0xb8;
	[tilespmem:$0x1E600] =	vst v63  }
0x68: {  	_ = 	snop  }
0x69: {  	[tilespmem:s21], [sflag:$0x4] =	stream.indirect.gather [hbm4b:s3+s16], $0x80, s31, s16, $0xb8;
	[tilespmem:$0x1E600] =	vst v63  }
0x6a: {  	_ =	swait.ge [sflag:s15], $0x6000  }
0x6b: {  	[sflag:s15] =	ssyncset.done $0x0  }
0x6c: {  	[sflag:s15] =	ssyncadd.s32 $0xFFFFA000  }
0x6d: {  	[hbm4b:s20+s2] =	stream.linear.scatter [tilespmem:s12], [sflag:$0x6], $0x6000, $0x38;
	[tilespmem:$0x1E600] =	vst v63  }
0x6e: {  	_ = 	snop  }
0x6f: {  	[tilespmem:s19], [sflag:$0x5] =	stream.indirect.gather [hbm4b:s3+s16], $0x80, s29, s16, $0xb8;
	[tilespmem:$0x1E600] =	vst v63  }
0x70: {  	_ =	swait.ge [sflag:s14], $0x6000  }
0x71: {  	[sflag:s14] =	ssyncset.done $0x0  }
0x72: {  	s0 =	rddreg [dreg:$0x4];
	[sflag:s14] =	ssyncadd.s32 $0xFFFFA000  }
0x73: {  	[hbm4b:s0+s2] =	stream.linear.scatter [tilespmem:s11], [sflag:$0x7], $0x6000, $0x38;
	[tilespmem:$0x1E600] =	vst v63  }
0x74: {  	_ =	swait.ge [sflag:s6], $0x6000  }
0x75: {  	[sflag:s6] =	ssyncset.done $0x0  }
0x76: {  	[sflag:s6] =	ssyncadd.s32 $0xFFFFA000  }
0x77: {  	[tilespmem:s12], [sflag:$0x1] =	stream.indirect.gather [hbm4b:s3+s16], $0x80, s26, s16, $0xb8;
	[tilespmem:$0x1E600] =	vst v63  }
0x78: {  	_ =	swait.ge [sflag:s13], $0x6000  }
0x79: {  	[sflag:s13] =	ssyncset.done $0x0  }
0x7a: {  	s0 =	rddreg [dreg:$0x5];
	[sflag:s13] =	ssyncadd.s32 $0xFFFFA000  }
0x7b: {  	[hbm4b:s0+s2] =	stream.linear.scatter [tilespmem:s9], [sflag:$0x8], $0x6000, $0x38;
	[tilespmem:$0x1E600] =	vst v63  }
0x7c: {  	_ =	swait.ge [sflag:s7], $0x6000  }
0x7d: {  	[sflag:s7] =	ssyncset.done $0x0  }
0x7e: {  	[sflag:s7] =	ssyncadd.s32 $0xFFFFA000  }
0x7f: {  	[tilespmem:s11], [sflag:$0x2] =	stream.indirect.gather [hbm4b:s3+s16], $0x80, s24, s16, $0xb8;
	[tilespmem:$0x1E600] =	vst v63  }
0x80: {  	_ =	swait.ge [sflag:s25], $0x6000  }
0x81: {  	[sflag:s25] =	ssyncset.done $0x0  }
0x82: {  	s0 =	rddreg [dreg:$0x6];
	[sflag:s25] =	ssyncadd.s32 $0xFFFFA000  }
0x83: {  	[hbm4b:s0+s2] =	stream.linear.scatter [tilespmem:s21], [sflag:$0x9], $0x6000, $0x38;
	[tilespmem:$0x1E600] =	vst v63  }
0x84: {  	_ =	swait.ge [sflag:s10], $0x6000  }
0x85: {  	[sflag:s10] =	ssyncset.done $0x0  }
0x86: {  	[sflag:s10] =	ssyncadd.s32 $0xFFFFA000  }
0x87: {  	[tilespmem:s9], [sflag:$0x3] =	stream.indirect.gather [hbm4b:s3+s16], $0x80, s23, s16, $0xb8;
	[tilespmem:$0x1E600] =	vst v63  }
0x88: {  	_ =	swait.ge [sflag:s22], $0x6000  }
0x89: {  	[sflag:s22] =	ssyncset.done $0x0  }
0x8a: {  	s0 =	rddreg [dreg:$0x7];
	[sflag:s22] =	ssyncadd.s32 $0xFFFFA000  }
0x8b: {  	[hbm4b:s0+s2] =	stream.linear.scatter [tilespmem:s19], [sflag:$0xA], $0x6000, $0x38;
	[tilespmem:$0x1E600] =	vst v63  }
0x8c: {  	_ =	swait.ge [sflag:s15], $0x6000  }
0x8d: {  	[sflag:s15] =	ssyncset.done $0x0  }
0x8e: {  	[sflag:s15] =	ssyncadd.s32 $0xFFFFA000  }
0x8f: {  	[hbm4b:s8+s2] =	stream.linear.scatter [tilespmem:s12], [sflag:$0x6], $0x6000, $0x38;
	[tilespmem:$0x1E600] =	vst v63  }
0x90: {  	_ =	swait.ge [sflag:s14], $0x6000  }
0x91: {  	[sflag:s14] =	ssyncset.done $0x0  }
0x92: {  	[sflag:s14] =	ssyncadd.s32 $0xFFFFA000  }
0x93: {  	[hbm4b:s5+s2] =	stream.linear.scatter [tilespmem:s11], [sflag:$0x7], $0x6000, $0x38;
	[tilespmem:$0x1E600] =	vst v63  }
0x94: {  	_ =	swait.ge [sflag:s13], $0x6000  }
0x95: {  	[sflag:s13] =	ssyncset.done $0x0  }
0x96: {  	[sflag:s13] =	ssyncadd.s32 $0xFFFFA000  }
0x97: {  	[hbm4b:s4+s2] =	stream.linear.scatter [tilespmem:s9], [sflag:$0x8], $0x6000, $0x38;
	[tilespmem:$0x1E600] =	vst v63  }
0x98: {  	_ =	swait.ge [sflag:s18], $0x6000  }
0x99: {  	[sflag:s18] =	ssyncset.done $0x0  }
0x9a: {  	[sflag:s18] =	ssyncadd.s32 $0xFFFFA000  }
0x9b: {  	_ =	swait.ge [sflag:s17], $0x6000  }
0x9c: {  	[sflag:s17] =	ssyncset.done $0x0  }
0x9d: {  	[sflag:s17] =	ssyncadd.s32 $0xFFFFA000  }
0x9e: {  	_ =	swait.ge [sflag:s6], $0x6000  }
0x9f: {  	[sflag:s6] =	ssyncset.done $0x0  }
0xa0: {  	p1 =	sne.s32 s1, $0x1;
	[sflag:s6] =	ssyncadd.s32 $0xFFFFA000  }
.Ltmp2:
0xa1: {  	_ =	swait.ge [sflag:s7], $0x6000;
	(pc) =	sbr.rel @p1 .LBB2_2-.Ltmp2, $4  }
0xa2: {  	[sflag:s7] =	ssyncset.done $0x0  }
0xa3: {  	[sflag:s7] =	ssyncadd.s32 $0xFFFFA000  }
0xa4: {  	_ =	swait.ge [sflag:s10], $0x6000  }
0xa5: {  	s1 =	sadd.s32 $0xFFFFFFFF, s1;
	s0 =	rddreg [dreg:$0x3];
	[sflag:s10] =	ssyncset.done $0x0  }
.LBB2_3:
0xa6: {  	[sflag:s10] =	ssyncadd.s32 @p0 $0xFFFFA000  }
0xa7: {  	[tilespmem:s2], [sflag:$0xB] =	stream.linear.gather [hbm4b:s0+s2], $0x600, $0x38;
	[tilespmem:$0x1E600] =	vst v63  }
0xa8: {  	_ =	swait.ge [sflag:s28], $0x600  }
0xa9: {  	[sflag:s28] =	ssyncset.done $0x0  }
0xaa: {  	[sflag:s28] =	ssyncadd.s32 $0xFFFFFA00  }
0xab: {  	[tilespmem:s12], [sflag:$0x1] =	stream.indirect.gather [hbm4b:s3+s16], $0x80, s2, s16, $0xb8;
	[tilespmem:$0x1E600] =	vst v63  }
0xac: {  	_ = 	snop  }
0xad: {  	[tilespmem:s11], [sflag:$0x2] =	stream.indirect.gather [hbm4b:s3+s16], $0x80, s16, s16, $0xb8;
	[tilespmem:$0x1E600] =	vst v63  }
0xae: {  	_ = 	snop  }
0xaf: {  	[tilespmem:s9], [sflag:$0x3] =	stream.indirect.gather [hbm4b:s3+s16], $0x80, s30, s16, $0xb8;
	[tilespmem:$0x1E600] =	vst v63  }
0xb0: {  	_ = 	snop  }
0xb1: {  	[tilespmem:s21], [sflag:$0x4] =	stream.indirect.gather [hbm4b:s3+s16], $0x80, s31, s16, $0xb8;
	[tilespmem:$0x1E600] =	vst v63  }
0xb2: {  	_ =	swait.ge [sflag:s15], $0x6000  }
0xb3: {  	[sflag:s15] =	ssyncset.done $0x0  }
0xb4: {  	[sflag:s15] =	ssyncadd.s32 $0xFFFFA000  }
0xb5: {  	[hbm4b:s20+s2] =	stream.linear.scatter [tilespmem:s12], [sflag:$0x6], $0x6000, $0x38;
	[tilespmem:$0x1E600] =	vst v63  }
0xb6: {  	_ = 	snop  }
0xb7: {  	[tilespmem:s19], [sflag:$0x5] =	stream.indirect.gather [hbm4b:s3+s16], $0x80, s29, s16, $0xb8;
	[tilespmem:$0x1E600] =	vst v63  }
0xb8: {  	_ =	swait.ge [sflag:s14], $0x6000  }
0xb9: {  	[sflag:s14] =	ssyncset.done $0x0  }
0xba: {  	s20 =	rddreg [dreg:$0x4];
	[sflag:s14] =	ssyncadd.s32 $0xFFFFA000  }
0xbb: {  	[hbm4b:s20+s2] =	stream.linear.scatter [tilespmem:s11], [sflag:$0x7], $0x6000, $0x38;
	[tilespmem:$0x1E600] =	vst v63  }
0xbc: {  	_ =	swait.ge [sflag:s6], $0x6000  }
0xbd: {  	[sflag:s6] =	ssyncset.done $0x0  }
0xbe: {  	[sflag:s6] =	ssyncadd.s32 $0xFFFFA000  }
0xbf: {  	[tilespmem:s12], [sflag:$0x1] =	stream.indirect.gather [hbm4b:s3+s16], $0x80, s26, s16, $0xb8;
	[tilespmem:$0x1E600] =	vst v63  }
0xc0: {  	_ =	swait.ge [sflag:s13], $0x6000  }
0xc1: {  	[sflag:s13] =	ssyncset.done $0x0  }
0xc2: {  	s28 =	rddreg [dreg:$0x5];
	[sflag:s13] =	ssyncadd.s32 $0xFFFFA000  }
0xc3: {  	[hbm4b:s28+s2] =	stream.linear.scatter [tilespmem:s9], [sflag:$0x8], $0x6000, $0x38;
	[tilespmem:$0x1E600] =	vst v63  }
0xc4: {  	_ =	swait.ge [sflag:s7], $0x6000  }
0xc5: {  	[sflag:s7] =	ssyncset.done $0x0  }
0xc6: {  	[sflag:s7] =	ssyncadd.s32 $0xFFFFA000  }
0xc7: {  	[tilespmem:s11], [sflag:$0x2] =	stream.indirect.gather [hbm4b:s3+s16], $0x80, s24, s16, $0xb8;
	[tilespmem:$0x1E600] =	vst v63  }
0xc8: {  	_ =	swait.ge [sflag:s25], $0x6000  }
0xc9: {  	[sflag:s25] =	ssyncset.done $0x0  }
0xca: {  	s29 =	rddreg [dreg:$0x6];
	[sflag:s25] =	ssyncadd.s32 $0xFFFFA000  }
0xcb: {  	[hbm4b:s29+s2] =	stream.linear.scatter [tilespmem:s21], [sflag:$0x9], $0x6000, $0x38;
	[tilespmem:$0x1E600] =	vst v63  }
0xcc: {  	_ =	swait.ge [sflag:s10], $0x6000  }
0xcd: {  	[sflag:s10] =	ssyncset.done $0x0  }
0xce: {  	[sflag:s10] =	ssyncadd.s32 $0xFFFFA000  }
0xcf: {  	[tilespmem:s9], [sflag:$0x3] =	stream.indirect.gather [hbm4b:s3+s16], $0x80, s23, s16, $0xb8;
	[tilespmem:$0x1E600] =	vst v63  }
0xd0: {  	_ =	swait.ge [sflag:s22], $0x6000  }
0xd1: {  	[sflag:s22] =	ssyncset.done $0x0  }
0xd2: {  	s30 =	rddreg [dreg:$0x7];
	[sflag:s22] =	ssyncadd.s32 $0xFFFFA000  }
0xd3: {  	[hbm4b:s30+s2] =	stream.linear.scatter [tilespmem:s19], [sflag:$0xA], $0x6000, $0x38;
	[tilespmem:$0x1E600] =	vst v63  }
0xd4: {  	_ =	swait.ge [sflag:s15], $0x6000  }
0xd5: {  	[sflag:s15] =	ssyncset.done $0x0  }
0xd6: {  	[sflag:s15] =	ssyncadd.s32 $0xFFFFA000  }
0xd7: {  	[hbm4b:s8+s2] =	stream.linear.scatter [tilespmem:s12], [sflag:$0x6], $0x6000, $0x38;
	[tilespmem:$0x1E600] =	vst v63  }
0xd8: {  	_ =	swait.ge [sflag:s14], $0x6000  }
0xd9: {  	[sflag:s14] =	ssyncset.done $0x0  }
0xda: {  	[sflag:s14] =	ssyncadd.s32 $0xFFFFA000  }
0xdb: {  	[hbm4b:s5+s2] =	stream.linear.scatter [tilespmem:s11], [sflag:$0x7], $0x6000, $0x38;
	[tilespmem:$0x1E600] =	vst v63  }
0xdc: {  	_ =	swait.ge [sflag:s13], $0x6000  }
0xdd: {  	[sflag:s13] =	ssyncset.done $0x0  }
0xde: {  	[sflag:s13] =	ssyncadd.s32 $0xFFFFA000  }
0xdf: {  	[hbm4b:s4+s2] =	stream.linear.scatter [tilespmem:s9], [sflag:$0x8], $0x6000, $0x38;
	[tilespmem:$0x1E600] =	vst v63  }
0xe0: {  	_ =	swait.ge [sflag:s18], $0x6000  }
0xe1: {  	[sflag:s18] =	ssyncset.done $0x0  }
0xe2: {  	[sflag:s18] =	ssyncadd.s32 $0xFFFFA000  }
0xe3: {  	_ =	swait.ge [sflag:s17], $0x6000  }
0xe4: {  	[sflag:s17] =	ssyncset.done $0x0  }
0xe5: {  	[sflag:s17] =	ssyncadd.s32 $0xFFFFA000  }
0xe6: {  	_ =	swait.ge [sflag:s6], $0x6000  }
0xe7: {  	[sflag:s6] =	ssyncset.done $0x0  }
0xe8: {  	[sflag:s6] =	ssyncadd.s32 $0xFFFFA000  }
0xe9: {  	_ =	swait.ge [sflag:s7], $0x6000  }
0xea: {  	[sflag:s7] =	ssyncset.done $0x0  }
0xeb: {  	[sflag:s7] =	ssyncadd.s32 $0xFFFFA000  }
0xec: {  	_ =	swait.ge [sflag:s10], $0x6000  }
0xed: {  	[sflag:s10] =	ssyncset.done $0x0  }
0xee: {  	[sflag:s10] =	ssyncadd.s32 $0xFFFFA000  }
0xef: {  	_ =	sfence.sel $0x180000  }
0xf0: {  	[bflag:$0x0] =	sbarrier.arrive $0xFFFF  }
0xf1: {  	_ =	strace $0x9000004A  }
0xf2: {  	s31 =	stileid.u32;
	[bflag:$0x2] =	sbarrier.arrive $0xFFFF  }
0xf3: {  	p0 =	sne.s32 s31, $0x0;
	s0 =	rddreg [dreg:$0x2]  }
0xf4: {  	s0 =	sadd.s32 @!p0 $0x100000, s0  }
0xf5: {  	[sflag:s0] =	ssyncadd.tile.s32 @!p0 $0x1;
	_ =	shalt  }
.Lfunc_end2:
_tile_overlayer_lowered:
.L_overlay_start_2:
0xf6: {  	(tag) =	ssettag $0x2  }
0xf7: {  	s0 =	rddreg [dreg:$0x0];
	s2 =	stileid.u32  }
0xf8: {  	s1 =	rddreg [dreg:$0x1];
	p0 =	sne.s32 s2, $0x0  }
0xf9: {  	s3 =	rddreg [dreg:$0x2];
	[bflag:$0x3] =	sbarrier.arrive $0xFFFF;
	s2 =	simm.s32 @!p0 $0x1C0B  }
0xfa: {  	[timem:s3], [sflag:s2] =	dma.local @!p0 [hbm:s0], s1  }
0xfb: {  	s0 =	simm.s32 @!p0 $0xB  }
0xfc: {  	_ =	swait.ge @!p0 [sflag:s0], s1  }
0xfd: {  	s1 =	ssub.s32 @!p0 $0x0, s1;
	[sflag:s0] =	ssyncset.done @!p0 $0x0  }
0xfe: {  	[sflag:s0] =	ssyncadd.s32 @!p0 s1  }
0xff: {  	[bflag:$0x3] =	sbarrier.arrive $0xFFFF  }
0x100: {  	_ =	shalt  }

</sc_bundles>
